<compile_context>
chip_gen: v7x
topology: tpu7x:2x2x1
jax: 0.10.2.dev20260603
libtpu: 0.0.44.dev20260713+nightly
codegen_flags: <defaults>
</compile_context>

<pallas_src>
import functools

import jax
import jax.numpy as jnp
from jax import lax
from jax.experimental import pallas as pl
from jax.experimental.pallas import tpu as pltpu
from jax.experimental.pallas import tpu_sc as plsc

_NC = 2
_NS = 16
_L = 16
_CH = 80
_ZR = 128


def _pad_rows(n):
    step = 8 * _NS
    return (n + step - 1) // step * step


def _sc_segment_sums(nodes_lo, nodes_hi, edges, senders, receivers):
    n, dh = nodes_lo.shape
    e, de = edges.shape
    ept = e // _NS
    nch = ept // _CH
    assert nch % 2 == 0
    nche = nch // 2
    npad = _pad_rows(n)
    rpt = npad // _NS
    NB = 2
    NP = 1
    NBE = 2
    assert nch % NB == 0 and nch > NB and nche % 2 == 1

    mesh = plsc.VectorSubcoreMesh(core_axis_name="c", subcore_axis_name="s")

    @functools.partial(
        pl.kernel,
        out_type=(
            jax.ShapeDtypeStruct((_NC, npad, dh), jnp.float32),
            jax.ShapeDtypeStruct((_NC, npad, de), jnp.float32),
        ),
        mesh=mesh,
        scratch_types=[
            pltpu.VMEM((ept,), jnp.int32),
            pltpu.VMEM((ept,), jnp.int32),
            pltpu.VMEM((nch, _CH), jnp.int32),
            [pltpu.VMEM((_CH, dh), jnp.float32)] * NB,
            [pltpu.VMEM((_CH, de), jnp.float32)] * NBE,
            pltpu.VMEM_SHARED((npad, dh), jnp.float32),
            pltpu.VMEM_SHARED((npad, de), jnp.float32),
            [pltpu.SemaphoreType.DMA] * NB,
            [pltpu.SemaphoreType.DMA] * NB,
            [pltpu.SemaphoreType.DMA] * NBE,
        ],
        compiler_params=pltpu.CompilerParams(use_tc_tiling_on_sc=False),
    )
    def seg(tab_h, send_h, recv_h, zg_h, ze_h, gout_h, eout_h,
            idx_s, idx_rf, idx_r, rows, erows, g_sh, e_sh,
            gsem, ssem, esem):
        c = lax.axis_index("c")
        s = lax.axis_index("s")

        pltpu.sync_copy(send_h.at[pl.ds(s * ept, ept)], idx_s)
        pltpu.sync_copy(recv_h.at[pl.ds(s * ept, ept)], idx_rf)
        csub = _CH // _L
        off16 = jnp.zeros((_L,), jnp.int32) + c * n

        @pl.loop(0, nch * csub)
        def _(i):
            sl = pl.ds(i * _L, _L)
            idx_s[sl] = idx_s[sl] + off16
            idx_r[i // csub, pl.ds((i % csub) * _L, _L)] = \
                idx_rf[pl.ds(i * _L, _L)]

        row0 = s * rpt
        pltpu.sync_copy(zg_h.at[pl.ds(row0, rpt)], g_sh.at[pl.ds(row0, rpt)])
        pltpu.sync_copy(ze_h.at[pl.ds(row0, rpt)], e_sh.at[pl.ds(row0, rpt)])

        plsc.subcore_barrier()

        def gather(j, b):
            pltpu.async_copy(tab_h.at[idx_s.at[pl.ds(j * _CH, _CH)]],
                             rows[b], gsem[b])

        for b in range(NP):
            gather(b, b)

        @pl.loop(0, nch, step=NB)
        def _(k0):
            for b in range(NB):
                j = k0 + b
                b2 = (b + NP) % NB

                @pl.when(j >= NB - NP)
                def _():
                    pltpu.make_async_copy(
                        rows[b2], g_sh.at[idx_r.at[j - (NB - NP)]],
                        ssem[b2]).wait()

                @pl.when(j + NP < nch)
                def _():
                    gather(j + NP, b2)

                pltpu.make_async_copy(tab_h.at[idx_s.at[pl.ds(j * _CH, _CH)]],
                                      rows[b], gsem[b]).wait()
                pltpu.async_copy(rows[b], g_sh.at[idx_r.at[j]], ssem[b],
                                 add=True)

        for t in range(NB - NP):
            j = nch - (NB - NP) + t
            b = j % NB
            pltpu.make_async_copy(rows[b], g_sh.at[idx_r.at[j]],
                                  ssem[b]).wait()

        base = s * ept
        eh0 = c * nche

        plsc.subcore_barrier()

        pltpu.sync_copy(g_sh.at[pl.ds(row0, rpt)],
                        gout_h.at[c, pl.ds(row0, rpt)])
        pltpu.sync_copy(e_sh.at[pl.ds(row0, rpt)],
                        eout_h.at[c, pl.ds(row0, rpt)])

    return seg(jnp.concatenate([nodes_lo, nodes_hi], axis=0),
               senders, receivers,
               jnp.zeros((npad, dh), jnp.float32),
               jnp.zeros((npad, de), jnp.float32))


def _dense_body(g_ref, e_ref, x_ref, a_ref, b_ref, w1_ref, b1_ref,
                w2_ref, b2_ref, s1_ref, o1_ref, s2_ref, o2_ref, out_ref):
    hi = None
    g = jnp.concatenate([g_ref[0], g_ref[1]], axis=-1)
    ea = e_ref[0] + e_ref[1]
    x = x_ref[...]
    agg = (jnp.dot(g, a_ref[...], precision=hi)
           + jnp.dot(ea, b_ref[...], precision=hi))
    agg = jnp.maximum(agg, 0.0) + x
    mean = jnp.mean(agg, axis=-1, keepdims=True)
    ctr = agg - mean
    var = jnp.mean(ctr * ctr, axis=-1, keepdims=True)
    aggn = ctr * lax.rsqrt(var + 1e-6) * s1_ref[...] + o1_ref[...]
    h = jnp.maximum(jnp.dot(aggn, w1_ref[...], precision=hi) + b1_ref[...], 0.0)
    y = jnp.dot(h, w2_ref[...], precision=hi) + b2_ref[...] + aggn
    t = x + y
    mean2 = jnp.mean(t, axis=-1, keepdims=True)
    ctr2 = t - mean2
    var2 = jnp.mean(ctr2 * ctr2, axis=-1, keepdims=True)
    out_ref[...] = ctr2 * lax.rsqrt(var2 + 1e-6) * s2_ref[...] + o2_ref[...]


def _tc_dense(gpart, epart, nodes, a, b, w1, b1, w2, b2, s1, o1, s2, o2):
    n, d = nodes.shape
    de = epart.shape[-1]
    bn = 2000
    grid = n // bn
    full = lambda shape: pl.BlockSpec(shape, lambda i, _s=len(shape): (0,) * _s)
    return pl.pallas_call(
        _dense_body,
        grid=(grid,),
        in_specs=[
            pl.BlockSpec((_NC, bn, d // 2), lambda i: (0, i, 0)),
            pl.BlockSpec((_NC, bn, de), lambda i: (0, i, 0)),
            pl.BlockSpec((bn, d), lambda i: (i, 0)),
            full((d, d)), full((de, d)), full((d, d)), full((1, d)),
            full((d, d)), full((1, d)), full((1, d)), full((1, d)),
            full((1, d)), full((1, d)),
        ],
        out_specs=pl.BlockSpec((bn, d), lambda i: (i, 0)),
        out_shape=jax.ShapeDtypeStruct((n, d), jnp.float32),
    )(gpart, epart, nodes, a, b, w1, b1, w2, b2, s1, o1, s2, o2)


def kernel(nodes, edges, receivers, senders, W_msg, W1, b1, W2, b2,
           ln_aggr_scale, ln_aggr_bias, ln_out_scale, ln_out_bias):
    n, d = nodes.shape
    de = edges.shape[1]
    dh = d // 2
    gcols, epart = _sc_segment_sums(nodes[:, :dh], nodes[:, dh:],
                                    edges, senders, receivers)
    r = lambda v: v.reshape(1, d)
    return _tc_dense(
        gcols, epart, nodes,
        W_msg[:d], W_msg[d:], W1, r(b1), W2, r(b2),
        r(ln_aggr_scale), r(ln_aggr_bias), r(ln_out_scale), r(ln_out_bias))

# --- scband reference (transcript-rebuilt; emitter-appended) ---
"""Pipeline reference for scband-linear-message-passing-layer-residual-62749472195029 (READ-ONLY COPY).

The authoritative reference and input builder live on the scoring server;
editing this copy changes nothing except your own understanding.
"""

import jax, jax.numpy as jnp
import numpy as np

N = 10000
E = 320000
D = 128
DE = 16

def layer_norm(x, scale, bias, eps=1e-6):
    mean = jnp.mean(x, axis=-1, keepdims=True)
    var = jnp.var(x, axis=-1, keepdims=True)
    return (x - mean) * jax.lax.rsqrt(var + eps) * scale + bias

def setup_inputs(seed: int = 0) -> dict:
    key = jax.random.key(seed)
    ks = jax.random.split(key, 8)
    nodes = jax.random.normal(ks[0], (N, D), dtype=jnp.float32)
    edges = jax.random.normal(ks[1], (E, DE), dtype=jnp.float32)
    receivers = jax.random.randint(ks[2], (E,), 0, N, dtype=jnp.int32)
    senders = jax.random.randint(ks[3], (E,), 0, N, dtype=jnp.int32)
    # W_message: Dense(D, use_bias=False, glorot_normal) on concat(sender_feat, edges)
    fan_in, fan_out = D + DE, D
    W_msg = jax.random.normal(ks[4], (fan_in, fan_out), dtype=jnp.float32) * np.sqrt(2.0 / (fan_in + fan_out))
    # NodeMLP (ReluMLP_skip with n_features_list=[128, 128]): hidden Dense(128)+relu, out Dense(128), + input skip
    W1 = jax.random.normal(ks[5], (D, D), dtype=jnp.float32) * np.sqrt(1.0 / D)
    b1 = jnp.zeros((D,), dtype=jnp.float32)
    W2 = jax.random.normal(ks[6], (D, D), dtype=jnp.float32) * np.sqrt(1.0 / D)
    b2 = jnp.zeros((D,), dtype=jnp.float32)
    ln_aggr_scale = jnp.ones((D,), dtype=jnp.float32)
    ln_aggr_bias = jnp.zeros((D,), dtype=jnp.float32)
    ln_out_scale = jnp.ones((D,), dtype=jnp.float32)
    ln_out_bias = jnp.zeros((D,), dtype=jnp.float32)
    return {"nodes": nodes, "edges": edges, "receivers": receivers, "senders": senders,
            "W_msg": W_msg, "W1": W1, "b1": b1, "W2": W2, "b2": b2,
            "ln_aggr_scale": ln_aggr_scale, "ln_aggr_bias": ln_aggr_bias,
            "ln_out_scale": ln_out_scale, "ln_out_bias": ln_out_bias}

def reference(nodes, edges, receivers, senders, W_msg, W1, b1, W2, b2,
              ln_aggr_scale, ln_aggr_bias, ln_out_scale, ln_out_bias):
    total_nodes = nodes.shape[0]
    sender_features = jnp.take(nodes, senders, axis=0)
    message_in = jnp.concatenate([sender_features, edges], axis=-1)
    messages_out = message_in @ W_msg
    aggregated = jax.ops.segment_sum(data=messages_out, segment_ids=receivers, num_segments=total_nodes)
    aggregated = layer_norm(jax.nn.relu(aggregated) + nodes, ln_aggr_scale, ln_aggr_bias)
    h = jax.nn.relu(aggregated @ W1 + b1)
    nodes_out = h @ W2 + b2 + aggregated  # skip connection inside ReluMLP_skip
    nodes_new = layer_norm(nodes + nodes_out, ln_out_scale, ln_out_bias)
    return nodes_new

if __name__ == "__main__":
    import jax
    _d = setup_inputs()
    print(jax.jit(kernel)(*tuple(_d.values())))

</pallas_src>

<mosaic_0001>
#map = affine_map<(d0, d1) -> (0, 0)>
#map1 = affine_map<(d0, d1) -> (0)>
#map2 = affine_map<(d0, d1) -> (0, 0, 0)>
module attributes {stable_mosaic.version = 14 : i64} {
  func.func @seg(%arg0: i32, %arg1: i32, %arg2: memref<20000x64xf32, #tpu.memory_space<hbm>>, %arg3: memref<320000xi32, #tpu.memory_space<hbm>>, %arg4: memref<320000xi32, #tpu.memory_space<hbm>>, %arg5: memref<10112x64xf32, #tpu.memory_space<hbm>>, %arg6: memref<10112x16xf32, #tpu.memory_space<hbm>>, %arg7: memref<2x10112x64xf32, #tpu.memory_space<hbm>>, %arg8: memref<2x10112x16xf32, #tpu.memory_space<hbm>>, %arg9: memref<20000xi32, #tpu.memory_space<vmem>>, %arg10: memref<20000xi32, #tpu.memory_space<vmem>>, %arg11: memref<250x80xi32, #tpu.memory_space<vmem>>, %arg12: memref<80x64xf32, #tpu.memory_space<vmem>>, %arg13: memref<80x64xf32, #tpu.memory_space<vmem>>, %arg14: memref<80x16xf32, #tpu.memory_space<vmem>>, %arg15: memref<80x16xf32, #tpu.memory_space<vmem>>, %arg16: memref<10112x64xf32, #tpu.memory_space<vmem_shared>>, %arg17: memref<10112x16xf32, #tpu.memory_space<vmem_shared>>, %arg18: memref<!tpu.dma_semaphore, #tpu.memory_space<semaphore_mem>>, %arg19: memref<!tpu.dma_semaphore, #tpu.memory_space<semaphore_mem>>, %arg20: memref<!tpu.dma_semaphore, #tpu.memory_space<semaphore_mem>>, %arg21: memref<!tpu.dma_semaphore, #tpu.memory_space<semaphore_mem>>, %arg22: memref<!tpu.dma_semaphore, #tpu.memory_space<semaphore_mem>>, %arg23: memref<!tpu.dma_semaphore, #tpu.memory_space<semaphore_mem>>) attributes {dimension_semantics = [#tpu.dimension_semantics<core_parallel>, #tpu.dimension_semantics<subcore_parallel>], iteration_bounds = array<i64: 2, 16>, scalar_prefetch = 0 : i64, scratch_operands = 15 : i64, tpu.core_type = #tpu.core_type<sc_vector_subcore>, window_params = [{transform_indices = #map}, {transform_indices = #map1}, {transform_indices = #map1}, {transform_indices = #map}, {transform_indices = #map}, {transform_indices = #map2}, {transform_indices = #map2}]} {
    %mul3A = arith.constant 20000 : i32
    %mul3A_0 = arith.muli %arg1, %mul3A : i32
    "tpu.region"() ({
      %run_scoped3A = tpu.sem_alloc : memref<!tpu.dma_semaphore, #tpu.memory_space<semaphore_mem>>
      %dma_start3A_33 = tpu.memref_slice %arg3[%mul3A_0] : memref<320000xi32, #tpu.memory_space<hbm>> -> memref<20000xi32, #tpu.memory_space<hbm>>
      %dma_start3A_34 = tpu.memref_slice %arg3[%mul3A_0] : memref<320000xi32, #tpu.memory_space<hbm>> -> memref<20000xi32, #tpu.memory_space<hbm>>
      tpu.enqueue_dma source(%dma_start3A_34 : memref<20000xi32, #tpu.memory_space<hbm>>) target(%arg9 : memref<20000xi32, #tpu.memory_space<vmem>>) target_semaphore(%run_scoped3A : memref<!tpu.dma_semaphore, #tpu.memory_space<semaphore_mem>>)
      %dma_wait3A_35 = tpu.memref_slice %arg3[%mul3A_0] : memref<320000xi32, #tpu.memory_space<hbm>> -> memref<20000xi32, #tpu.memory_space<hbm>>
      %dma_wait3A_36 = tpu.memref_slice %arg3[%mul3A_0] : memref<320000xi32, #tpu.memory_space<hbm>> -> memref<20000xi32, #tpu.memory_space<hbm>>
      tpu.wait_dma2 semaphore(%run_scoped3A : memref<!tpu.dma_semaphore, #tpu.memory_space<semaphore_mem>>) src(%dma_wait3A_36 : memref<20000xi32, #tpu.memory_space<hbm>>) dst(%arg9 : memref<20000xi32, #tpu.memory_space<vmem>>)
      tpu.yield
    }) : () -> ()
    %mul3A_1 = arith.constant 20000 : i32
    %mul3A_2 = arith.muli %arg1, %mul3A_1 : i32
    "tpu.region"() ({
      %run_scoped3A = tpu.sem_alloc : memref<!tpu.dma_semaphore, #tpu.memory_space<semaphore_mem>>
      %dma_start3A_33 = tpu.memref_slice %arg4[%mul3A_2] : memref<320000xi32, #tpu.memory_space<hbm>> -> memref<20000xi32, #tpu.memory_space<hbm>>
      %dma_start3A_34 = tpu.memref_slice %arg4[%mul3A_2] : memref<320000xi32, #tpu.memory_space<hbm>> -> memref<20000xi32, #tpu.memory_space<hbm>>
      tpu.enqueue_dma source(%dma_start3A_34 : memref<20000xi32, #tpu.memory_space<hbm>>) target(%arg10 : memref<20000xi32, #tpu.memory_space<vmem>>) target_semaphore(%run_scoped3A : memref<!tpu.dma_semaphore, #tpu.memory_space<semaphore_mem>>)
      %dma_wait3A_35 = tpu.memref_slice %arg4[%mul3A_2] : memref<320000xi32, #tpu.memory_space<hbm>> -> memref<20000xi32, #tpu.memory_space<hbm>>
      %dma_wait3A_36 = tpu.memref_slice %arg4[%mul3A_2] : memref<320000xi32, #tpu.memory_space<hbm>> -> memref<20000xi32, #tpu.memory_space<hbm>>
      tpu.wait_dma2 semaphore(%run_scoped3A : memref<!tpu.dma_semaphore, #tpu.memory_space<semaphore_mem>>) src(%dma_wait3A_36 : memref<20000xi32, #tpu.memory_space<hbm>>) dst(%arg10 : memref<20000xi32, #tpu.memory_space<vmem>>)
      tpu.yield
    }) : () -> ()
    %broadcast_in_dim3A = arith.constant 0 : i32
    %broadcast_in_dim3A_3 = vector.broadcast %broadcast_in_dim3A : i32 to vector<16xi32>
    %mul3A_4 = arith.constant 10000 : i32
    %mul3A_5 = arith.muli %arg0, %mul3A_4 : i32
    %add3A = vector.broadcast %mul3A_5 : i32 to vector<16xi32>
    %add3A_6 = arith.addi %broadcast_in_dim3A_3, %add3A : vector<16xi32>
    %scan3A = arith.constant 0 : i32
    %scan3A_7 = arith.constant 1250 : i32
    %scan3A_8 = arith.addi %scan3A, %scan3A_7 : i32
    %scan3A_9 = arith.constant 1 : i32
    scf.for %scan3A_33 = %scan3A to %scan3A_8 step %scan3A_9  : i32 {
      %mul3A_34 = arith.constant 1 : i32
      %mul3A_35 = arith.muli %scan3A_33, %mul3A_34 : i32
      %add3A_36 = arith.constant 0 : i32
      %add3A_37 = arith.addi %add3A_36, %mul3A_35 : i32
      %mul3A_38 = arith.constant 16 : i32
      %mul3A_39 = arith.muli %add3A_37, %mul3A_38 : i32
      %get3A = arith.index_cast %mul3A_39 : i32 to index
      %get3A_40 = tpu.vector_load %arg9[%get3A] {strides = array<i32>} : memref<20000xi32, #tpu.memory_space<vmem>>, vector<16xi32>,
      %get3A_41 = vector.shape_cast %get3A_40 : vector<16xi32> to vector<16xi32>
      %add3A_42 = arith.addi %get3A_41, %add3A_6 : vector<16xi32>
      %swap3A = arith.index_cast %mul3A_39 : i32 to index
      %swap3A_43 = tpu.vector_load %arg9[%swap3A] {strides = array<i32>} : memref<20000xi32, #tpu.memory_space<vmem>>, vector<16xi32>,
      %swap3A_44 = vector.shape_cast %swap3A_43 : vector<16xi32> to vector<16xi32>
      %swap3A_45 = vector.shape_cast %add3A_42 : vector<16xi32> to vector<16xi32>
      tpu.vector_store %arg9[%swap3A], %swap3A_45 {strides = array<i32>} : memref<20000xi32, #tpu.memory_space<vmem>>, vector<16xi32>,
      %mul3A_46 = arith.constant 16 : i32
      %mul3A_47 = arith.muli %add3A_37, %mul3A_46 : i32
      %get3A_48 = arith.index_cast %mul3A_47 : i32 to index
      %get3A_49 = tpu.vector_load %arg10[%get3A_48] {strides = array<i32>} : memref<20000xi32, #tpu.memory_space<vmem>>, vector<16xi32>,
      %get3A_50 = vector.shape_cast %get3A_49 : vector<16xi32> to vector<16xi32>
      %jit3A = arith.constant 5 : i32
      %div3A = arith.divsi %add3A_37, %jit3A : i32
      %sign3A = arith.constant 0 : i32
      %sign3A_51 = arith.cmpi sgt, %add3A_37, %sign3A : i32
      %sign3A_52 = arith.extui %sign3A_51 : i1 to i32
      %sign3A_53 = arith.constant 0 : i32
      %sign3A_54 = arith.cmpi slt, %add3A_37, %sign3A_53 : i32
      %sign3A_55 = arith.extui %sign3A_54 : i1 to i32
      %sign3A_56 = arith.subi %sign3A_52, %sign3A_55 : i32
      %sign3A_57 = arith.constant 0 : i32
      %sign3A_58 = arith.cmpi sgt, %jit3A, %sign3A_57 : i32
      %sign3A_59 = arith.extui %sign3A_58 : i1 to i32
      %sign3A_60 = arith.constant 0 : i32
      %sign3A_61 = arith.cmpi slt, %jit3A, %sign3A_60 : i32
      %sign3A_62 = arith.extui %sign3A_61 : i1 to i32
      %sign3A_63 = arith.subi %sign3A_59, %sign3A_62 : i32
      %ne3A = arith.cmpi ne, %sign3A_56, %sign3A_63 : i32
      %rem3A = arith.remsi %add3A_37, %jit3A : i32
      %ne3A_64 = arith.constant 0 : i32
      %ne3A_65 = arith.cmpi ne, %rem3A, %ne3A_64 : i32
      %and3A = arith.andi %ne3A, %ne3A_65 : i1
      %sub3A = arith.constant 1 : i32
      %sub3A_66 = arith.subi %div3A, %sub3A : i32
      %select_n3A = arith.select %and3A, %sub3A_66, %div3A : i32
      %jit3A_67 = arith.constant 5 : i32
      %eq3A = arith.constant 0 : i32
      %eq3A_68 = arith.cmpi eq, %jit3A_67, %eq3A : i32
      %jit3A_69 = arith.constant 1 : i32
      %select_n3A_70 = arith.select %eq3A_68, %jit3A_69, %jit3A_67 : i32
      %rem3A_71 = arith.remsi %add3A_37, %select_n3A_70 : i32
      %ne3A_72 = arith.constant 0 : i32
      %ne3A_73 = arith.cmpi ne, %rem3A_71, %ne3A_72 : i32
      %lt3A = arith.constant 0 : i32
      %lt3A_74 = arith.cmpi slt, %rem3A_71, %lt3A : i32
      %lt3A_75 = arith.constant 0 : i32
      %lt3A_76 = arith.cmpi slt, %select_n3A_70, %lt3A_75 : i32
      %ne3A_77 = arith.xori %lt3A_74, %lt3A_76 : i1
      %and3A_78 = arith.andi %ne3A_77, %ne3A_73 : i1
      %add3A_79 = arith.addi %rem3A_71, %select_n3A_70 : i32
      %select_n3A_80 = arith.select %and3A_78, %add3A_79, %rem3A_71 : i32
      %mul3A_81 = arith.constant 16 : i32
      %mul3A_82 = arith.muli %select_n3A_80, %mul3A_81 : i32
      %swap3A_83 = arith.index_cast %select_n3A : i32 to index
      %swap3A_84 = arith.index_cast %mul3A_82 : i32 to index
      %swap3A_85 = tpu.vector_load %arg11[%swap3A_83, %swap3A_84] {strides = array<i32>} : memref<250x80xi32, #tpu.memory_space<vmem>>, vector<1x16xi32>,
      %swap3A_86 = vector.shape_cast %swap3A_85 : vector<1x16xi32> to vector<16xi32>
      %swap3A_87 = vector.shape_cast %get3A_50 : vector<16xi32> to vector<1x16xi32>
      tpu.vector_store %arg11[%swap3A_83, %swap3A_84], %swap3A_87 {strides = array<i32>} : memref<250x80xi32, #tpu.memory_space<vmem>>, vector<1x16xi32>,
    }
    %scan3A_10 = arith.constant 1250 : i32
    %mul3A_11 = arith.constant 632 : i32
    %mul3A_12 = arith.muli %arg1, %mul3A_11 : i32
    "tpu.region"() ({
      %run_scoped3A = tpu.sem_alloc : memref<!tpu.dma_semaphore, #tpu.memory_space<semaphore_mem>>
      %dma_start3A_33 = arith.constant 0 : i32
      %dma_start3A_34 = tpu.memref_slice %arg16[%mul3A_12, %dma_start3A_33] : memref<10112x64xf32, #tpu.memory_space<vmem_shared>> -> memref<632x64xf32, #tpu.memory_space<vmem_shared>>
      %dma_start3A_35 = arith.constant 0 : i32
      %dma_start3A_36 = tpu.memref_slice %arg5[%mul3A_12, %dma_start3A_35] : memref<10112x64xf32, #tpu.memory_space<hbm>> -> memref<632x64xf32, #tpu.memory_space<hbm>>
      tpu.enqueue_dma source(%dma_start3A_36 : memref<632x64xf32, #tpu.memory_space<hbm>>) target(%dma_start3A_34 : memref<632x64xf32, #tpu.memory_space<vmem_shared>>) target_semaphore(%run_scoped3A : memref<!tpu.dma_semaphore, #tpu.memory_space<semaphore_mem>>)
      %dma_wait3A_37 = arith.constant 0 : i32
      %dma_wait3A_38 = tpu.memref_slice %arg16[%mul3A_12, %dma_wait3A_37] : memref<10112x64xf32, #tpu.memory_space<vmem_shared>> -> memref<632x64xf32, #tpu.memory_space<vmem_shared>>
      %dma_wait3A_39 = arith.constant 0 : i32
      %dma_wait3A_40 = tpu.memref_slice %arg5[%mul3A_12, %dma_wait3A_39] : memref<10112x64xf32, #tpu.memory_space<hbm>> -> memref<632x64xf32, #tpu.memory_space<hbm>>
      tpu.wait_dma2 semaphore(%run_scoped3A : memref<!tpu.dma_semaphore, #tpu.memory_space<semaphore_mem>>) src(%dma_wait3A_40 : memref<632x64xf32, #tpu.memory_space<hbm>>) dst(%dma_wait3A_38 : memref<632x64xf32, #tpu.memory_space<vmem_shared>>)
      tpu.yield
    }) : () -> ()
    "tpu.region"() ({
      %run_scoped3A = tpu.sem_alloc : memref<!tpu.dma_semaphore, #tpu.memory_space<semaphore_mem>>
      %dma_start3A_33 = arith.constant 0 : i32
      %dma_start3A_34 = tpu.memref_slice %arg17[%mul3A_12, %dma_start3A_33] : memref<10112x16xf32, #tpu.memory_space<vmem_shared>> -> memref<632x16xf32, #tpu.memory_space<vmem_shared>>
      %dma_start3A_35 = arith.constant 0 : i32
      %dma_start3A_36 = tpu.memref_slice %arg6[%mul3A_12, %dma_start3A_35] : memref<10112x16xf32, #tpu.memory_space<hbm>> -> memref<632x16xf32, #tpu.memory_space<hbm>>
      tpu.enqueue_dma source(%dma_start3A_36 : memref<632x16xf32, #tpu.memory_space<hbm>>) target(%dma_start3A_34 : memref<632x16xf32, #tpu.memory_space<vmem_shared>>) target_semaphore(%run_scoped3A : memref<!tpu.dma_semaphore, #tpu.memory_space<semaphore_mem>>)
      %dma_wait3A_37 = arith.constant 0 : i32
      %dma_wait3A_38 = tpu.memref_slice %arg17[%mul3A_12, %dma_wait3A_37] : memref<10112x16xf32, #tpu.memory_space<vmem_shared>> -> memref<632x16xf32, #tpu.memory_space<vmem_shared>>
      %dma_wait3A_39 = arith.constant 0 : i32
      %dma_wait3A_40 = tpu.memref_slice %arg6[%mul3A_12, %dma_wait3A_39] : memref<10112x16xf32, #tpu.memory_space<hbm>> -> memref<632x16xf32, #tpu.memory_space<hbm>>
      tpu.wait_dma2 semaphore(%run_scoped3A : memref<!tpu.dma_semaphore, #tpu.memory_space<semaphore_mem>>) src(%dma_wait3A_40 : memref<632x16xf32, #tpu.memory_space<hbm>>) dst(%dma_wait3A_38 : memref<632x16xf32, #tpu.memory_space<vmem_shared>>)
      tpu.yield
    }) : () -> ()
    %barrier3A = arith.constant 0 : index
    tpu.barrier barrier_id(%barrier3A)
    %dma_start3A = arith.constant 0 : i32
    %dma_start3A_13 = tpu.memref_slice %arg9[%dma_start3A] : memref<20000xi32, #tpu.memory_space<vmem>> -> memref<80xi32, #tpu.memory_space<vmem>>
    %dma_start3A_14 = arith.constant 0 : i32
    %dma_start3A_15 = arith.constant 0 : i32
    %dma_start3A_16 = tpu.memref_slice %arg2[%dma_start3A_14, %dma_start3A_15] : memref<20000x64xf32, #tpu.memory_space<hbm>> -> memref<20000x64xf32, #tpu.memory_space<hbm>>
    tpu.enqueue_indirect_dma source(%dma_start3A_16 : memref<20000x64xf32, #tpu.memory_space<hbm>>) target(%arg12 : memref<80x64xf32, #tpu.memory_space<vmem>>) offsets(%dma_start3A_13 : memref<80xi32, #tpu.memory_space<vmem>>) semaphore(%arg18 : memref<!tpu.dma_semaphore, #tpu.memory_space<semaphore_mem>>)
    %scan3A_17 = arith.constant 0 : i32
    %scan3A_18 = arith.constant 125 : i32
    %scan3A_19 = arith.addi %scan3A_17, %scan3A_18 : i32
    %scan3A_20 = arith.constant 1 : i32
    scf.for %scan3A_33 = %scan3A_17 to %scan3A_19 step %scan3A_20  : i32 {
      %mul3A_34 = arith.constant 2 : i32
      %mul3A_35 = arith.muli %scan3A_33, %mul3A_34 : i32
      %add3A_36 = arith.constant 0 : i32
      %add3A_37 = arith.addi %add3A_36, %mul3A_35 : i32
      %add3A_38 = arith.constant 0 : i32
      %add3A_39 = arith.addi %add3A_37, %add3A_38 : i32
      %ge3A = arith.constant 1 : i32
      %ge3A_40 = arith.cmpi sge, %add3A_39, %ge3A : i32
      %convert_element_type3A = arith.extui %ge3A_40 : i1 to i32
      %cond3A = arith.constant 0 : i32
      %cond3A_41 = arith.cmpi ne, %convert_element_type3A, %cond3A : i32
      scf.if %cond3A_41 {
        %sub3A = arith.constant 1 : i32
        %sub3A_86 = arith.subi %add3A_39, %sub3A : i32
        %dma_wait3A_87 = arith.constant 0 : i32
        %dma_wait3A_88 = tpu.memref_slice %arg11[%sub3A_86, %dma_wait3A_87] : memref<250x80xi32, #tpu.memory_space<vmem>> -> memref<1x80xi32, #tpu.memory_space<vmem>>
        %dma_wait3A_89 = tpu.memref_squeeze %dma_wait3A_88 : memref<1x80xi32, #tpu.memory_space<vmem>> -> memref<80xi32, #tpu.memory_space<vmem>>
        %dma_wait3A_90 = arith.constant 0 : i32
        %dma_wait3A_91 = arith.constant 0 : i32
        %dma_wait3A_92 = tpu.memref_slice %arg16[%dma_wait3A_90, %dma_wait3A_91] : memref<10112x64xf32, #tpu.memory_space<vmem_shared>> -> memref<10112x64xf32, #tpu.memory_space<vmem_shared>>
        tpu.wait_indirect_dma semaphore(%arg21 : memref<!tpu.dma_semaphore, #tpu.memory_space<semaphore_mem>>) src(%arg13 : memref<80x64xf32, #tpu.memory_space<vmem>>) dst(%dma_wait3A_92 : memref<10112x64xf32, #tpu.memory_space<vmem_shared>>)
      } else {
      }
      %add3A_42 = arith.constant 1 : i32
      %add3A_43 = arith.addi %add3A_39, %add3A_42 : i32
      %lt3A = arith.constant 250 : i32
      %lt3A_44 = arith.cmpi slt, %add3A_43, %lt3A : i32
      %convert_element_type3A_45 = arith.extui %lt3A_44 : i1 to i32
      %cond3A_46 = arith.constant 0 : i32
      %cond3A_47 = arith.cmpi ne, %convert_element_type3A_45, %cond3A_46 : i32
      scf.if %cond3A_47 {
        %add3A_86 = arith.constant 1 : i32
        %add3A_87 = arith.addi %add3A_39, %add3A_86 : i32
        %mul3A_88 = arith.constant 80 : i32
        %mul3A_89 = arith.muli %add3A_87, %mul3A_88 : i32
        %dma_start3A_90 = tpu.memref_slice %arg9[%mul3A_89] : memref<20000xi32, #tpu.memory_space<vmem>> -> memref<80xi32, #tpu.memory_space<vmem>>
        %dma_start3A_91 = arith.constant 0 : i32
        %dma_start3A_92 = arith.constant 0 : i32
        %dma_start3A_93 = tpu.memref_slice %arg2[%dma_start3A_91, %dma_start3A_92] : memref<20000x64xf32, #tpu.memory_space<hbm>> -> memref<20000x64xf32, #tpu.memory_space<hbm>>
        tpu.enqueue_indirect_dma source(%dma_start3A_93 : memref<20000x64xf32, #tpu.memory_space<hbm>>) target(%arg13 : memref<80x64xf32, #tpu.memory_space<vmem>>) offsets(%dma_start3A_90 : memref<80xi32, #tpu.memory_space<vmem>>) semaphore(%arg19 : memref<!tpu.dma_semaphore, #tpu.memory_space<semaphore_mem>>)
      } else {
      }
      %mul3A_48 = arith.constant 80 : i32
      %mul3A_49 = arith.muli %add3A_39, %mul3A_48 : i32
      %dma_wait3A_50 = tpu.memref_slice %arg9[%mul3A_49] : memref<20000xi32, #tpu.memory_space<vmem>> -> memref<80xi32, #tpu.memory_space<vmem>>
      %dma_wait3A_51 = arith.constant 0 : i32
      %dma_wait3A_52 = arith.constant 0 : i32
      %dma_wait3A_53 = tpu.memref_slice %arg2[%dma_wait3A_51, %dma_wait3A_52] : memref<20000x64xf32, #tpu.memory_space<hbm>> -> memref<20000x64xf32, #tpu.memory_space<hbm>>
      tpu.wait_indirect_dma semaphore(%arg18 : memref<!tpu.dma_semaphore, #tpu.memory_space<semaphore_mem>>) src(%dma_wait3A_53 : memref<20000x64xf32, #tpu.memory_space<hbm>>) dst(%arg12 : memref<80x64xf32, #tpu.memory_space<vmem>>)
      %dma_start3A_54 = arith.constant 0 : i32
      %dma_start3A_55 = tpu.memref_slice %arg11[%add3A_39, %dma_start3A_54] : memref<250x80xi32, #tpu.memory_space<vmem>> -> memref<1x80xi32, #tpu.memory_space<vmem>>
      %dma_start3A_56 = tpu.memref_squeeze %dma_start3A_55 : memref<1x80xi32, #tpu.memory_space<vmem>> -> memref<80xi32, #tpu.memory_space<vmem>>
      %dma_start3A_57 = arith.constant 0 : i32
      %dma_start3A_58 = arith.constant 0 : i32
      %dma_start3A_59 = tpu.memref_slice %arg16[%dma_start3A_57, %dma_start3A_58] : memref<10112x64xf32, #tpu.memory_space<vmem_shared>> -> memref<10112x64xf32, #tpu.memory_space<vmem_shared>>
      tpu.enqueue_indirect_dma source(%arg12 : memref<80x64xf32, #tpu.memory_space<vmem>>) target(%dma_start3A_59 : memref<10112x64xf32, #tpu.memory_space<vmem_shared>>) offsets(%dma_start3A_56 : memref<80xi32, #tpu.memory_space<vmem>>) semaphore(%arg20 : memref<!tpu.dma_semaphore, #tpu.memory_space<semaphore_mem>>) {add = true}
      %add3A_60 = arith.constant 1 : i32
      %add3A_61 = arith.addi %add3A_37, %add3A_60 : i32
      %ge3A_62 = arith.constant 1 : i32
      %ge3A_63 = arith.cmpi sge, %add3A_61, %ge3A_62 : i32
      %convert_element_type3A_64 = arith.extui %ge3A_63 : i1 to i32
      %cond3A_65 = arith.constant 0 : i32
      %cond3A_66 = arith.cmpi ne, %convert_element_type3A_64, %cond3A_65 : i32
      scf.if %cond3A_66 {
        %sub3A = arith.constant 1 : i32
        %sub3A_86 = arith.subi %add3A_61, %sub3A : i32
        %dma_wait3A_87 = arith.constant 0 : i32
        %dma_wait3A_88 = tpu.memref_slice %arg11[%sub3A_86, %dma_wait3A_87] : memref<250x80xi32, #tpu.memory_space<vmem>> -> memref<1x80xi32, #tpu.memory_space<vmem>>
        %dma_wait3A_89 = tpu.memref_squeeze %dma_wait3A_88 : memref<1x80xi32, #tpu.memory_space<vmem>> -> memref<80xi32, #tpu.memory_space<vmem>>
        %dma_wait3A_90 = arith.constant 0 : i32
        %dma_wait3A_91 = arith.constant 0 : i32
        %dma_wait3A_92 = tpu.memref_slice %arg16[%dma_wait3A_90, %dma_wait3A_91] : memref<10112x64xf32, #tpu.memory_space<vmem_shared>> -> memref<10112x64xf32, #tpu.memory_space<vmem_shared>>
        tpu.wait_indirect_dma semaphore(%arg20 : memref<!tpu.dma_semaphore, #tpu.memory_space<semaphore_mem>>) src(%arg12 : memref<80x64xf32, #tpu.memory_space<vmem>>) dst(%dma_wait3A_92 : memref<10112x64xf32, #tpu.memory_space<vmem_shared>>)
      } else {
      }
      %add3A_67 = arith.constant 1 : i32
      %add3A_68 = arith.addi %add3A_61, %add3A_67 : i32
      %lt3A_69 = arith.constant 250 : i32
      %lt3A_70 = arith.cmpi slt, %add3A_68, %lt3A_69 : i32
      %convert_element_type3A_71 = arith.extui %lt3A_70 : i1 to i32
      %cond3A_72 = arith.constant 0 : i32
      %cond3A_73 = arith.cmpi ne, %convert_element_type3A_71, %cond3A_72 : i32
      scf.if %cond3A_73 {
        %add3A_86 = arith.constant 1 : i32
        %add3A_87 = arith.addi %add3A_61, %add3A_86 : i32
        %mul3A_88 = arith.constant 80 : i32
        %mul3A_89 = arith.muli %add3A_87, %mul3A_88 : i32
        %dma_start3A_90 = tpu.memref_slice %arg9[%mul3A_89] : memref<20000xi32, #tpu.memory_space<vmem>> -> memref<80xi32, #tpu.memory_space<vmem>>
        %dma_start3A_91 = arith.constant 0 : i32
        %dma_start3A_92 = arith.constant 0 : i32
        %dma_start3A_93 = tpu.memref_slice %arg2[%dma_start3A_91, %dma_start3A_92] : memref<20000x64xf32, #tpu.memory_space<hbm>> -> memref<20000x64xf32, #tpu.memory_space<hbm>>
        tpu.enqueue_indirect_dma source(%dma_start3A_93 : memref<20000x64xf32, #tpu.memory_space<hbm>>) target(%arg12 : memref<80x64xf32, #tpu.memory_space<vmem>>) offsets(%dma_start3A_90 : memref<80xi32, #tpu.memory_space<vmem>>) semaphore(%arg18 : memref<!tpu.dma_semaphore, #tpu.memory_space<semaphore_mem>>)
      } else {
      }
      %mul3A_74 = arith.constant 80 : i32
      %mul3A_75 = arith.muli %add3A_61, %mul3A_74 : i32
      %dma_wait3A_76 = tpu.memref_slice %arg9[%mul3A_75] : memref<20000xi32, #tpu.memory_space<vmem>> -> memref<80xi32, #tpu.memory_space<vmem>>
      %dma_wait3A_77 = arith.constant 0 : i32
      %dma_wait3A_78 = arith.constant 0 : i32
      %dma_wait3A_79 = tpu.memref_slice %arg2[%dma_wait3A_77, %dma_wait3A_78] : memref<20000x64xf32, #tpu.memory_space<hbm>> -> memref<20000x64xf32, #tpu.memory_space<hbm>>
      tpu.wait_indirect_dma semaphore(%arg19 : memref<!tpu.dma_semaphore, #tpu.memory_space<semaphore_mem>>) src(%dma_wait3A_79 : memref<20000x64xf32, #tpu.memory_space<hbm>>) dst(%arg13 : memref<80x64xf32, #tpu.memory_space<vmem>>)
      %dma_start3A_80 = arith.constant 0 : i32
      %dma_start3A_81 = tpu.memref_slice %arg11[%add3A_61, %dma_start3A_80] : memref<250x80xi32, #tpu.memory_space<vmem>> -> memref<1x80xi32, #tpu.memory_space<vmem>>
      %dma_start3A_82 = tpu.memref_squeeze %dma_start3A_81 : memref<1x80xi32, #tpu.memory_space<vmem>> -> memref<80xi32, #tpu.memory_space<vmem>>
      %dma_start3A_83 = arith.constant 0 : i32
      %dma_start3A_84 = arith.constant 0 : i32
      %dma_start3A_85 = tpu.memref_slice %arg16[%dma_start3A_83, %dma_start3A_84] : memref<10112x64xf32, #tpu.memory_space<vmem_shared>> -> memref<10112x64xf32, #tpu.memory_space<vmem_shared>>
      tpu.enqueue_indirect_dma source(%arg13 : memref<80x64xf32, #tpu.memory_space<vmem>>) target(%dma_start3A_85 : memref<10112x64xf32, #tpu.memory_space<vmem_shared>>) offsets(%dma_start3A_82 : memref<80xi32, #tpu.memory_space<vmem>>) semaphore(%arg21 : memref<!tpu.dma_semaphore, #tpu.memory_space<semaphore_mem>>) {add = true}
    }
    %scan3A_21 = arith.constant 125 : i32
    %dma_wait3A = arith.constant 249 : i32
    %dma_wait3A_22 = arith.constant 0 : i32
    %dma_wait3A_23 = tpu.memref_slice %arg11[%dma_wait3A, %dma_wait3A_22] : memref<250x80xi32, #tpu.memory_space<vmem>> -> memref<1x80xi32, #tpu.memory_space<vmem>>
    %dma_wait3A_24 = tpu.memref_squeeze %dma_wait3A_23 : memref<1x80xi32, #tpu.memory_space<vmem>> -> memref<80xi32, #tpu.memory_space<vmem>>
    %dma_wait3A_25 = arith.constant 0 : i32
    %dma_wait3A_26 = arith.constant 0 : i32
    %dma_wait3A_27 = tpu.memref_slice %arg16[%dma_wait3A_25, %dma_wait3A_26] : memref<10112x64xf32, #tpu.memory_space<vmem_shared>> -> memref<10112x64xf32, #tpu.memory_space<vmem_shared>>
    tpu.wait_indirect_dma semaphore(%arg21 : memref<!tpu.dma_semaphore, #tpu.memory_space<semaphore_mem>>) src(%arg13 : memref<80x64xf32, #tpu.memory_space<vmem>>) dst(%dma_wait3A_27 : memref<10112x64xf32, #tpu.memory_space<vmem_shared>>)
    %mul3A_28 = arith.constant 20000 : i32
    %mul3A_29 = arith.muli %arg1, %mul3A_28 : i32
    %mul3A_30 = arith.constant 125 : i32
    %mul3A_31 = arith.muli %arg0, %mul3A_30 : i32
    %barrier3A_32 = arith.constant 0 : index
    tpu.barrier barrier_id(%barrier3A_32)
    "tpu.region"() ({
      %run_scoped3A = tpu.sem_alloc : memref<!tpu.dma_semaphore, #tpu.memory_space<semaphore_mem>>
      %dma_start3A_33 = arith.constant 0 : i32
      %dma_start3A_34 = tpu.memref_slice %arg7[%arg0, %mul3A_12, %dma_start3A_33] : memref<2x10112x64xf32, #tpu.memory_space<hbm>> -> memref<1x632x64xf32, #tpu.memory_space<hbm>>
      %dma_start3A_35 = tpu.memref_squeeze %dma_start3A_34 : memref<1x632x64xf32, #tpu.memory_space<hbm>> -> memref<632x64xf32, #tpu.memory_space<hbm>>
      %dma_start3A_36 = arith.constant 0 : i32
      %dma_start3A_37 = tpu.memref_slice %arg16[%mul3A_12, %dma_start3A_36] : memref<10112x64xf32, #tpu.memory_space<vmem_shared>> -> memref<632x64xf32, #tpu.memory_space<vmem_shared>>
      tpu.enqueue_dma source(%dma_start3A_37 : memref<632x64xf32, #tpu.memory_space<vmem_shared>>) target(%dma_start3A_35 : memref<632x64xf32, #tpu.memory_space<hbm>>) target_semaphore(%run_scoped3A : memref<!tpu.dma_semaphore, #tpu.memory_space<semaphore_mem>>)
      %dma_wait3A_38 = arith.constant 0 : i32
      %dma_wait3A_39 = tpu.memref_slice %arg7[%arg0, %mul3A_12, %dma_wait3A_38] : memref<2x10112x64xf32, #tpu.memory_space<hbm>> -> memref<1x632x64xf32, #tpu.memory_space<hbm>>
      %dma_wait3A_40 = tpu.memref_squeeze %dma_wait3A_39 : memref<1x632x64xf32, #tpu.memory_space<hbm>> -> memref<632x64xf32, #tpu.memory_space<hbm>>
      %dma_wait3A_41 = arith.constant 0 : i32
      %dma_wait3A_42 = tpu.memref_slice %arg16[%mul3A_12, %dma_wait3A_41] : memref<10112x64xf32, #tpu.memory_space<vmem_shared>> -> memref<632x64xf32, #tpu.memory_space<vmem_shared>>
      tpu.wait_dma2 semaphore(%run_scoped3A : memref<!tpu.dma_semaphore, #tpu.memory_space<semaphore_mem>>) src(%dma_wait3A_42 : memref<632x64xf32, #tpu.memory_space<vmem_shared>>) dst(%dma_wait3A_40 : memref<632x64xf32, #tpu.memory_space<hbm>>)
      tpu.yield
    }) : () -> ()
    "tpu.region"() ({
      %run_scoped3A = tpu.sem_alloc : memref<!tpu.dma_semaphore, #tpu.memory_space<semaphore_mem>>
      %dma_start3A_33 = arith.constant 0 : i32
      %dma_start3A_34 = tpu.memref_slice %arg8[%arg0, %mul3A_12, %dma_start3A_33] : memref<2x10112x16xf32, #tpu.memory_space<hbm>> -> memref<1x632x16xf32, #tpu.memory_space<hbm>>
      %dma_start3A_35 = tpu.memref_squeeze %dma_start3A_34 : memref<1x632x16xf32, #tpu.memory_space<hbm>> -> memref<632x16xf32, #tpu.memory_space<hbm>>
      %dma_start3A_36 = arith.constant 0 : i32
      %dma_start3A_37 = tpu.memref_slice %arg17[%mul3A_12, %dma_start3A_36] : memref<10112x16xf32, #tpu.memory_space<vmem_shared>> -> memref<632x16xf32, #tpu.memory_space<vmem_shared>>
      tpu.enqueue_dma source(%dma_start3A_37 : memref<632x16xf32, #tpu.memory_space<vmem_shared>>) target(%dma_start3A_35 : memref<632x16xf32, #tpu.memory_space<hbm>>) target_semaphore(%run_scoped3A : memref<!tpu.dma_semaphore, #tpu.memory_space<semaphore_mem>>)
      %dma_wait3A_38 = arith.constant 0 : i32
      %dma_wait3A_39 = tpu.memref_slice %arg8[%arg0, %mul3A_12, %dma_wait3A_38] : memref<2x10112x16xf32, #tpu.memory_space<hbm>> -> memref<1x632x16xf32, #tpu.memory_space<hbm>>
      %dma_wait3A_40 = tpu.memref_squeeze %dma_wait3A_39 : memref<1x632x16xf32, #tpu.memory_space<hbm>> -> memref<632x16xf32, #tpu.memory_space<hbm>>
      %dma_wait3A_41 = arith.constant 0 : i32
      %dma_wait3A_42 = tpu.memref_slice %arg17[%mul3A_12, %dma_wait3A_41] : memref<10112x16xf32, #tpu.memory_space<vmem_shared>> -> memref<632x16xf32, #tpu.memory_space<vmem_shared>>
      tpu.wait_dma2 semaphore(%run_scoped3A : memref<!tpu.dma_semaphore, #tpu.memory_space<semaphore_mem>>) src(%dma_wait3A_42 : memref<632x16xf32, #tpu.memory_space<vmem_shared>>) dst(%dma_wait3A_40 : memref<632x16xf32, #tpu.memory_space<hbm>>)
      tpu.yield
    }) : () -> ()
    return
  }
}

module attributes {stable_mosaic.version = 14 : i64} {
  func.func @_dense_body(%arg0: i32, %arg1: memref<2x2000x64xf32, #tpu.memory_space<vmem>>, %arg2: memref<2x2000x16xf32, #tpu.memory_space<vmem>>, %arg3: memref<2000x128xf32, #tpu.memory_space<vmem>>, %arg4: memref<128x128xf32, #tpu.memory_space<vmem>>, %arg5: memref<16x128xf32, #tpu.memory_space<vmem>>, %arg6: memref<128x128xf32, #tpu.memory_space<vmem>>, %arg7: memref<1x128xf32, #tpu.memory_space<vmem>>, %arg8: memref<128x128xf32, #tpu.memory_space<vmem>>, %arg9: memref<1x128xf32, #tpu.memory_space<vmem>>, %arg10: memref<1x128xf32, #tpu.memory_space<vmem>>, %arg11: memref<1x128xf32, #tpu.memory_space<vmem>>, %arg12: memref<1x128xf32, #tpu.memory_space<vmem>>, %arg13: memref<1x128xf32, #tpu.memory_space<vmem>>, %arg14: memref<2000x128xf32, #tpu.memory_space<vmem>>) attributes {dimension_semantics = [#tpu.dimension_semantics<arbitrary>], iteration_bounds = array<i64: 5>, scalar_prefetch = 0 : i64, scratch_operands = 0 : i64, tpu.core_type = #tpu.core_type<tc>, window_params = [{transform_indices = @transform_0, window_bounds = array<i64: 2, 2000, 64>}, {transform_indices = @transform_1, window_bounds = array<i64: 2, 2000, 16>}, {transform_indices = @transform_2, window_bounds = array<i64: 2000, 128>}, {pipeline_mode = #tpu.pipeline_mode<synchronous>, transform_indices = @transform_3, window_bounds = array<i64: 128, 128>}, {pipeline_mode = #tpu.pipeline_mode<synchronous>, transform_indices = @transform_4, window_bounds = array<i64: 16, 128>}, {pipeline_mode = #tpu.pipeline_mode<synchronous>, transform_indices = @transform_5, window_bounds = array<i64: 128, 128>}, {pipeline_mode = #tpu.pipeline_mode<synchronous>, transform_indices = @transform_6, window_bounds = array<i64: 1, 128>}, {pipeline_mode = #tpu.pipeline_mode<synchronous>, transform_indices = @transform_7, window_bounds = array<i64: 128, 128>}, {pipeline_mode = #tpu.pipeline_mode<synchronous>, transform_indices = @transform_8, window_bounds = array<i64: 1, 128>}, {pipeline_mode = #tpu.pipeline_mode<synchronous>, transform_indices = @transform_9, window_bounds = array<i64: 1, 128>}, {pipeline_mode = #tpu.pipeline_mode<synchronous>, transform_indices = @transform_10, window_bounds = array<i64: 1, 128>}, {pipeline_mode = #tpu.pipeline_mode<synchronous>, transform_indices = @transform_11, window_bounds = array<i64: 1, 128>}, {pipeline_mode = #tpu.pipeline_mode<synchronous>, transform_indices = @transform_12, window_bounds = array<i64: 1, 128>}, {transform_indices = @transform_13, window_bounds = array<i64: 2000, 128>}]} {
    %get3A = arith.constant 0 : index
    %get3A_0 = arith.constant 0 : index
    %get3A_1 = arith.constant 0 : index
    %get3A_2 = vector.load %arg1[%get3A, %get3A_0, %get3A_1] : memref<2x2000x64xf32, #tpu.memory_space<vmem>>, vector<1x2000x64xf32>
    %get3A_3 = vector.shape_cast %get3A_2 : vector<1x2000x64xf32> to vector<2000x64xf32>
    %get3A_4 = arith.constant 1 : index
    %get3A_5 = arith.constant 0 : index
    %get3A_6 = arith.constant 0 : index
    %get3A_7 = vector.load %arg1[%get3A_4, %get3A_5, %get3A_6] : memref<2x2000x64xf32, #tpu.memory_space<vmem>>, vector<1x2000x64xf32>
    %get3A_8 = vector.shape_cast %get3A_7 : vector<1x2000x64xf32> to vector<2000x64xf32>
    %concatenate3A = tpu.concatenate %get3A_3, %get3A_8 in 1 : vector<2000x64xf32>, vector<2000x64xf32> -> vector<2000x128xf32>
    %get3A_9 = arith.constant 0 : index
    %get3A_10 = arith.constant 0 : index
    %get3A_11 = arith.constant 0 : index
    %get3A_12 = vector.load %arg2[%get3A_9, %get3A_10, %get3A_11] : memref<2x2000x16xf32, #tpu.memory_space<vmem>>, vector<1x2000x16xf32>
    %get3A_13 = vector.shape_cast %get3A_12 : vector<1x2000x16xf32> to vector<2000x16xf32>
    %get3A_14 = arith.constant 1 : index
    %get3A_15 = arith.constant 0 : index
    %get3A_16 = arith.constant 0 : index
    %get3A_17 = vector.load %arg2[%get3A_14, %get3A_15, %get3A_16] : memref<2x2000x16xf32, #tpu.memory_space<vmem>>, vector<1x2000x16xf32>
    %get3A_18 = vector.shape_cast %get3A_17 : vector<1x2000x16xf32> to vector<2000x16xf32>
    %add3A = arith.addf %get3A_13, %get3A_18 : vector<2000x16xf32>
    %get3A_19 = arith.constant 0 : index
    %get3A_20 = arith.constant 0 : index
    %get3A_21 = vector.load %arg3[%get3A_19, %get3A_20] : memref<2000x128xf32, #tpu.memory_space<vmem>>, vector<2000x128xf32>
    %get3A_22 = arith.constant 0 : index
    %get3A_23 = arith.constant 0 : index
    %get3A_24 = vector.load %arg4[%get3A_22, %get3A_23] : memref<128x128xf32, #tpu.memory_space<vmem>>, vector<128x128xf32>
    %dot_general3A = arith.constant dense<0.000000e+00> : vector<2000x128xf32>
    %dot_general3A_25 = tpu.matmul %concatenate3A, %get3A_24, %dot_general3A {dimension_numbers = #tpu.dot_dimension_numbers<[1], [0], [0], [1], [0, 0, 1, 1], [], []>, transpose_lhs_hint = false} : vector<2000x128xf32>, vector<128x128xf32>, vector<2000x128xf32> -> vector<2000x128xf32>
    %get3A_26 = arith.constant 0 : index
    %get3A_27 = arith.constant 0 : index
    %get3A_28 = vector.load %arg5[%get3A_26, %get3A_27] : memref<16x128xf32, #tpu.memory_space<vmem>>, vector<16x128xf32>
    %dot_general3A_29 = arith.constant dense<0.000000e+00> : vector<2000x128xf32>
    %dot_general3A_30 = tpu.matmul %add3A, %get3A_28, %dot_general3A_29 {dimension_numbers = #tpu.dot_dimension_numbers<[1], [0], [0], [1], [0, 0, 1, 1], [], []>, transpose_lhs_hint = false} : vector<2000x16xf32>, vector<16x128xf32>, vector<2000x128xf32> -> vector<2000x128xf32>
    %add3A_31 = arith.addf %dot_general3A_25, %dot_general3A_30 : vector<2000x128xf32>
    %max3A = arith.constant 0.000000e+00 : f32
    %max3A_32 = vector.broadcast %max3A : f32 to vector<2000x128xf32>
    %max3A_33 = arith.maximumf %add3A_31, %max3A_32 : vector<2000x128xf32>
    %add3A_34 = arith.addf %max3A_33, %get3A_21 : vector<2000x128xf32>
    %reduce_sum3A = arith.constant dense<0.000000e+00> : vector<2000xf32>
    %reduce_sum3A_35 = vector.multi_reduction <add>, %add3A_34, %reduce_sum3A [1] : vector<2000x128xf32> to vector<2000xf32>
    %broadcast_in_dim3A = vector.shape_cast %reduce_sum3A_35 : vector<2000xf32> to vector<2000x1xf32>
    %div3A = arith.constant 1.280000e+02 : f32
    %div3A_36 = vector.broadcast %div3A : f32 to vector<2000x1xf32>
    %div3A_37 = arith.divf %broadcast_in_dim3A, %div3A_36 : vector<2000x1xf32>
    %sub3A = vector.broadcast %div3A_37 : vector<2000x1xf32> to vector<2000x128xf32>
    %sub3A_38 = arith.subf %add3A_34, %sub3A : vector<2000x128xf32>
    %mul3A = arith.mulf %sub3A_38, %sub3A_38 : vector<2000x128xf32>
    %reduce_sum3A_39 = arith.constant dense<0.000000e+00> : vector<2000xf32>
    %reduce_sum3A_40 = vector.multi_reduction <add>, %mul3A, %reduce_sum3A_39 [1] : vector<2000x128xf32> to vector<2000xf32>
    %broadcast_in_dim3A_41 = vector.shape_cast %reduce_sum3A_40 : vector<2000xf32> to vector<2000x1xf32>
    %div3A_42 = arith.constant 1.280000e+02 : f32
    %div3A_43 = vector.broadcast %div3A_42 : f32 to vector<2000x1xf32>
    %div3A_44 = arith.divf %broadcast_in_dim3A_41, %div3A_43 : vector<2000x1xf32>
    %add3A_45 = arith.constant 9.99999997E-7 : f32
    %add3A_46 = vector.broadcast %add3A_45 : f32 to vector<2000x1xf32>
    %add3A_47 = arith.addf %div3A_44, %add3A_46 : vector<2000x1xf32>
    %rsqrt3A = math.rsqrt %add3A_47 : vector<2000x1xf32>
    %mul3A_48 = vector.broadcast %rsqrt3A : vector<2000x1xf32> to vector<2000x128xf32>
    %mul3A_49 = arith.mulf %sub3A_38, %mul3A_48 : vector<2000x128xf32>
    %get3A_50 = arith.constant 0 : index
    %get3A_51 = arith.constant 0 : index
    %get3A_52 = vector.load %arg10[%get3A_50, %get3A_51] : memref<1x128xf32, #tpu.memory_space<vmem>>, vector<1x128xf32>
    %mul3A_53 = vector.broadcast %get3A_52 : vector<1x128xf32> to vector<2000x128xf32>
    %mul3A_54 = arith.mulf %mul3A_49, %mul3A_53 : vector<2000x128xf32>
    %get3A_55 = arith.constant 0 : index
    %get3A_56 = arith.constant 0 : index
    %get3A_57 = vector.load %arg11[%get3A_55, %get3A_56] : memref<1x128xf32, #tpu.memory_space<vmem>>, vector<1x128xf32>
    %add3A_58 = vector.broadcast %get3A_57 : vector<1x128xf32> to vector<2000x128xf32>
    %add3A_59 = arith.addf %mul3A_54, %add3A_58 : vector<2000x128xf32>
    %get3A_60 = arith.constant 0 : index
    %get3A_61 = arith.constant 0 : index
    %get3A_62 = vector.load %arg6[%get3A_60, %get3A_61] : memref<128x128xf32, #tpu.memory_space<vmem>>, vector<128x128xf32>
    %dot_general3A_63 = arith.constant dense<0.000000e+00> : vector<2000x128xf32>
    %dot_general3A_64 = tpu.matmul %add3A_59, %get3A_62, %dot_general3A_63 {dimension_numbers = #tpu.dot_dimension_numbers<[1], [0], [0], [1], [0, 0, 1, 1], [], []>, transpose_lhs_hint = false} : vector<2000x128xf32>, vector<128x128xf32>, vector<2000x128xf32> -> vector<2000x128xf32>
    %get3A_65 = arith.constant 0 : index
    %get3A_66 = arith.constant 0 : index
    %get3A_67 = vector.load %arg7[%get3A_65, %get3A_66] : memref<1x128xf32, #tpu.memory_space<vmem>>, vector<1x128xf32>
    %add3A_68 = vector.broadcast %get3A_67 : vector<1x128xf32> to vector<2000x128xf32>
    %add3A_69 = arith.addf %dot_general3A_64, %add3A_68 : vector<2000x128xf32>
    %max3A_70 = arith.constant 0.000000e+00 : f32
    %max3A_71 = vector.broadcast %max3A_70 : f32 to vector<2000x128xf32>
    %max3A_72 = arith.maximumf %add3A_69, %max3A_71 : vector<2000x128xf32>
    %get3A_73 = arith.constant 0 : index
    %get3A_74 = arith.constant 0 : index
    %get3A_75 = vector.load %arg8[%get3A_73, %get3A_74] : memref<128x128xf32, #tpu.memory_space<vmem>>, vector<128x128xf32>
    %dot_general3A_76 = arith.constant dense<0.000000e+00> : vector<2000x128xf32>
    %dot_general3A_77 = tpu.matmul %max3A_72, %get3A_75, %dot_general3A_76 {dimension_numbers = #tpu.dot_dimension_numbers<[1], [0], [0], [1], [0, 0, 1, 1], [], []>, transpose_lhs_hint = false} : vector<2000x128xf32>, vector<128x128xf32>, vector<2000x128xf32> -> vector<2000x128xf32>
    %get3A_78 = arith.constant 0 : index
    %get3A_79 = arith.constant 0 : index
    %get3A_80 = vector.load %arg9[%get3A_78, %get3A_79] : memref<1x128xf32, #tpu.memory_space<vmem>>, vector<1x128xf32>
    %add3A_81 = vector.broadcast %get3A_80 : vector<1x128xf32> to vector<2000x128xf32>
    %add3A_82 = arith.addf %dot_general3A_77, %add3A_81 : vector<2000x128xf32>
    %add3A_83 = arith.addf %add3A_82, %add3A_59 : vector<2000x128xf32>
    %add3A_84 = arith.addf %get3A_21, %add3A_83 : vector<2000x128xf32>
    %reduce_sum3A_85 = arith.constant dense<0.000000e+00> : vector<2000xf32>
    %reduce_sum3A_86 = vector.multi_reduction <add>, %add3A_84, %reduce_sum3A_85 [1] : vector<2000x128xf32> to vector<2000xf32>
    %broadcast_in_dim3A_87 = vector.shape_cast %reduce_sum3A_86 : vector<2000xf32> to vector<2000x1xf32>
    %div3A_88 = arith.constant 1.280000e+02 : f32
    %div3A_89 = vector.broadcast %div3A_88 : f32 to vector<2000x1xf32>
    %div3A_90 = arith.divf %broadcast_in_dim3A_87, %div3A_89 : vector<2000x1xf32>
    %sub3A_91 = vector.broadcast %div3A_90 : vector<2000x1xf32> to vector<2000x128xf32>
    %sub3A_92 = arith.subf %add3A_84, %sub3A_91 : vector<2000x128xf32>
    %mul3A_93 = arith.mulf %sub3A_92, %sub3A_92 : vector<2000x128xf32>
    %reduce_sum3A_94 = arith.constant dense<0.000000e+00> : vector<2000xf32>
    %reduce_sum3A_95 = vector.multi_reduction <add>, %mul3A_93, %reduce_sum3A_94 [1] : vector<2000x128xf32> to vector<2000xf32>
    %broadcast_in_dim3A_96 = vector.shape_cast %reduce_sum3A_95 : vector<2000xf32> to vector<2000x1xf32>
    %div3A_97 = arith.constant 1.280000e+02 : f32
    %div3A_98 = vector.broadcast %div3A_97 : f32 to vector<2000x1xf32>
    %div3A_99 = arith.divf %broadcast_in_dim3A_96, %div3A_98 : vector<2000x1xf32>
    %add3A_100 = arith.constant 9.99999997E-7 : f32
    %add3A_101 = vector.broadcast %add3A_100 : f32 to vector<2000x1xf32>
    %add3A_102 = arith.addf %div3A_99, %add3A_101 : vector<2000x1xf32>
    %rsqrt3A_103 = math.rsqrt %add3A_102 : vector<2000x1xf32>
    %mul3A_104 = vector.broadcast %rsqrt3A_103 : vector<2000x1xf32> to vector<2000x128xf32>
    %mul3A_105 = arith.mulf %sub3A_92, %mul3A_104 : vector<2000x128xf32>
    %get3A_106 = arith.constant 0 : index
    %get3A_107 = arith.constant 0 : index
    %get3A_108 = vector.load %arg12[%get3A_106, %get3A_107] : memref<1x128xf32, #tpu.memory_space<vmem>>, vector<1x128xf32>
    %mul3A_109 = vector.broadcast %get3A_108 : vector<1x128xf32> to vector<2000x128xf32>
    %mul3A_110 = arith.mulf %mul3A_105, %mul3A_109 : vector<2000x128xf32>
    %get3A_111 = arith.constant 0 : index
    %get3A_112 = arith.constant 0 : index
    %get3A_113 = vector.load %arg13[%get3A_111, %get3A_112] : memref<1x128xf32, #tpu.memory_space<vmem>>, vector<1x128xf32>
    %add3A_114 = vector.broadcast %get3A_113 : vector<1x128xf32> to vector<2000x128xf32>
    %add3A_115 = arith.addf %mul3A_110, %add3A_114 : vector<2000x128xf32>
    %swap3A = arith.constant 0 : index
    %swap3A_116 = arith.constant 0 : index
    %swap3A_117 = vector.load %arg14[%swap3A, %swap3A_116] : memref<2000x128xf32, #tpu.memory_space<vmem>>, vector<2000x128xf32>
    tpu.vector_store %arg14[%swap3A, %swap3A_116], %add3A_115 {strides = array<i32>} : memref<2000x128xf32, #tpu.memory_space<vmem>>, vector<2000x128xf32>,
    return
  }
  func.func @transform_0(%arg0: i32) -> (i32, i32, i32) {
    %c0_i32 = arith.constant 0 : i32
    %c0_i32_0 = arith.constant 0 : i32
    %c0_i32_1 = arith.constant 0 : i32
    return %c0_i32, %arg0, %c0_i32_0 : i32, i32, i32
  }
  func.func @transform_1(%arg0: i32) -> (i32, i32, i32) {
    %c0_i32 = arith.constant 0 : i32
    %c0_i32_0 = arith.constant 0 : i32
    %c0_i32_1 = arith.constant 0 : i32
    return %c0_i32, %arg0, %c0_i32_0 : i32, i32, i32
  }
  func.func @transform_2(%arg0: i32) -> (i32, i32) {
    %c0_i32 = arith.constant 0 : i32
    %c0_i32_0 = arith.constant 0 : i32
    return %arg0, %c0_i32 : i32, i32
  }
  func.func @transform_3(%arg0: i32) -> (i32, i32) {
    %c0_i32 = arith.constant 0 : i32
    %c0_i32_0 = arith.constant 0 : i32
    %c0_i32_1 = arith.constant 0 : i32
    return %c0_i32, %c0_i32_0 : i32, i32
  }
  func.func @transform_4(%arg0: i32) -> (i32, i32) {
    %c0_i32 = arith.constant 0 : i32
    %c0_i32_0 = arith.constant 0 : i32
    %c0_i32_1 = arith.constant 0 : i32
    return %c0_i32, %c0_i32_0 : i32, i32
  }
  func.func @transform_5(%arg0: i32) -> (i32, i32) {
    %c0_i32 = arith.constant 0 : i32
    %c0_i32_0 = arith.constant 0 : i32
    %c0_i32_1 = arith.constant 0 : i32
    return %c0_i32, %c0_i32_0 : i32, i32
  }
  func.func @transform_6(%arg0: i32) -> (i32, i32) {
    %c0_i32 = arith.constant 0 : i32
    %c0_i32_0 = arith.constant 0 : i32
    %c0_i32_1 = arith.constant 0 : i32
    return %c0_i32, %c0_i32_0 : i32, i32
  }
  func.func @transform_7(%arg0: i32) -> (i32, i32) {
    %c0_i32 = arith.constant 0 : i32
    %c0_i32_0 = arith.constant 0 : i32
    %c0_i32_1 = arith.constant 0 : i32
    return %c0_i32, %c0_i32_0 : i32, i32
  }
  func.func @transform_8(%arg0: i32) -> (i32, i32) {
    %c0_i32 = arith.constant 0 : i32
    %c0_i32_0 = arith.constant 0 : i32
    %c0_i32_1 = arith.constant 0 : i32
    return %c0_i32, %c0_i32_0 : i32, i32
  }
  func.func @transform_9(%arg0: i32) -> (i32, i32) {
    %c0_i32 = arith.constant 0 : i32
    %c0_i32_0 = arith.constant 0 : i32
    %c0_i32_1 = arith.constant 0 : i32
    return %c0_i32, %c0_i32_0 : i32, i32
  }
  func.func @transform_10(%arg0: i32) -> (i32, i32) {
    %c0_i32 = arith.constant 0 : i32
    %c0_i32_0 = arith.constant 0 : i32
    %c0_i32_1 = arith.constant 0 : i32
    return %c0_i32, %c0_i32_0 : i32, i32
  }
  func.func @transform_11(%arg0: i32) -> (i32, i32) {
    %c0_i32 = arith.constant 0 : i32
    %c0_i32_0 = arith.constant 0 : i32
    %c0_i32_1 = arith.constant 0 : i32
    return %c0_i32, %c0_i32_0 : i32, i32
  }
  func.func @transform_12(%arg0: i32) -> (i32, i32) {
    %c0_i32 = arith.constant 0 : i32
    %c0_i32_0 = arith.constant 0 : i32
    %c0_i32_1 = arith.constant 0 : i32
    return %c0_i32, %c0_i32_0 : i32, i32
  }
  func.func @transform_13(%arg0: i32) -> (i32, i32) {
    %c0_i32 = arith.constant 0 : i32
    %c0_i32_0 = arith.constant 0 : i32
    return %arg0, %c0_i32 : i32, i32
  }
}

</mosaic_0001>

<sc_bundles>
// kernel: kernel.4.cloned.1.call-start
scs
__scs_entry_jumppad:
0x0: {  	(pc) =	sbr.rel $0x88, $3  }
0x1: {  	(tag) =	ssettag $0x0;
	lr =	simm.s32 $0x1  }
0x2: {  	[smem:$0x3F95] =	sst lr;
	_ =	strace $0xD0000000  }
0x3: {  	_ = 	snop  }
0x4: {  	_ = 	snop  }
0x5: {  	_ = 	snop  }
0x6: {  	_ = 	snop  }
0x7: {  	_ = 	snop  }
__scs_overlays_trampoline_lowered:
0x8: {  	[smem:$0x3FA4] =	sst s0  }
0x9: {  	[smem:$0x3FA5] =	sst s1  }
0xa: {  	[smem:$0x3FA6] =	sst s2  }
0xb: {  	[smem:$0x3FA7] =	sst s3  }
0xc: {  	[smem:$0x3FA8] =	sst s4  }
0xd: {  	[smem:$0x3FA9] =	sst s5  }
0xe: {  	[smem:$0x3FAA] =	sst s6  }
0xf: {  	[smem:$0x3FAB] =	sst s7  }
0x10: {  	[smem:$0x3FAC] =	sst s8  }
0x11: {  	[smem:$0x3FAD] =	sst s9;
	s0 =	simm.s32 @!p0 $0x0  }
0x12: {  	s1 =	sld [smem:$0x3F93];
	s0 =	simm.s32 @p0 $0x1  }
0x13: {  	[smem:$0x3FAE] =	sst s0;
	s0 =	simm.s32 @!p1 $0x0  }
0x14: {  	s2 =	sld [smem:$0x3F92];
	s0 =	simm.s32 @p1 $0x1  }
0x15: {  	[smem:$0x3FAF] =	sst s0;
	s0 =	simm.s32 @!p2 $0x0  }
0x16: {  	s3 =	sld [smem:$0x3FDB];
	s0 =	simm.s32 @p2 $0x1  }
0x17: {  	s4 =	simm.s32 $0x1BF5;
	[smem:$0x3FB1] =	sst s0  }
0x18: {  	s0 =	sld [smem:$0x3F94];
	_ =	swait.ge [sflag:s4], $0x0  }
0x19: {  	s7 =	sld [smem:$0x3F95]  }
0x1a: {  	s8 =	sadd.s32 $0xFFFFE003, lr  }
0x1b: {  	s9 =	sadd.s32 $0xFFFFFEF7, lr;
	s5 =	simm.s32 $0xFFFFFFFF;
	p2 =	slt.u32 s8, $0xFFFFF086  }
0x1c: {  	p1 =	slt.u32 s9, $0xF7A;
	s5 =	simm.s32 @!p2 $0x0  }
0x1d: {  	s5 =	simm.s32 @p1 $0x1;
	p0 =	seq.s32 s7, s2  }
0x1e: {  	s7 =	smul.u32 @!p0 $0xF7A, s2;
	p2 =	seq.s32 @!p0 s5, $0x0  }
0x1f: {  	s9 =	smul.u32 $0xF7A, s1;
	s8 =	simm.s32 @!p0 $0x1BF5;
	p2 =	por !p2, p0  }
0x20: {  	[sflag:s8] =	ssyncset.s32 @!p0 $0xFFFFF086;
	s6 =	sadd.s32 @!p0 s3, s7;
	s7 =	simm.s32 @!p0 $0x108  }
0x21: {  	s3 =	sadd.s32 s3, s9;
	s6 =	sadd.s32 @!p0 $0x88, s6;
	s7 =	simm.s32 @p2 $0x1082  }
0x22: {  	[simem:s7], [sflag:s8] =	dma.local @!p0 [hbm:s6], $0xF7A  }
0x23: {  	s9 =	sor.u32 $0xD0000000, s2;
	s6 =	simm.s32 $0x108;
	_ =	swait.ge @!p0 [sflag:s8], $0x0  }
0x24: {  	s3 =	sadd.s32 $0x88, s3;
	s6 =	simm.s32 @!p1 $0x1082;
	[sflag:s4] =	ssyncset.s32 $0xFFFFF086  }
0x25: {  	[simem:s6], [sflag:s4] =	dma.local [hbm:s3], $0xF7A  }
0x26: {  	[smem:$0x3F95] =	sst s1;
	(tag) =	ssettag s2;
	_ =	strace s9  }
0x27: {  	s1 =	sld [smem:$0x3FA5]  }
0x28: {  	s2 =	sld [smem:$0x3FA6]  }
0x29: {  	s4 =	sld [smem:$0x3FA8]  }
0x2a: {  	p0 =	seq.s32 s5, $0x0;
	s5 =	sld [smem:$0x3FA9]  }
0x2b: {  	s6 =	sld [smem:$0x3FAA]  }
0x2c: {  	s7 =	sld [smem:$0x3FAB]  }
0x2d: {  	s3 =	simm.s32 $0x108;
	s8 =	sld [smem:$0x3FAC]  }
0x2e: {  	s3 =	simm.s32 @!p0 $0x1082;
	s9 =	sld [smem:$0x3FAD]  }
0x2f: {  	lr =	sadd.s32 s0, s3;
	s0 =	sld [smem:$0x3FA4]  }
0x30: {  	s3 =	sld [smem:$0x3FA7]  }
0x31: {  	[smem:$0x3FB0] =	sst s10  }
0x32: {  	s10 =	sld [smem:$0x3FAE];
	_ =	sdelay $0x3  }
0x33: {  	p0 =	seq.s32 s10, $0x1;
	s10 =	sld [smem:$0x3FB0];
	_ =	sdelay $0x3  }
0x34: {  	[smem:$0x3FB0] =	sst s10  }
0x35: {  	s10 =	sld [smem:$0x3FAF];
	_ =	sdelay $0x3  }
0x36: {  	p1 =	seq.s32 s10, $0x1;
	s10 =	sld [smem:$0x3FB0];
	_ =	sdelay $0x3  }
0x37: {  	[smem:$0x3FB0] =	sst s10  }
0x38: {  	s10 =	sld [smem:$0x3FB1]  }
0x39: {  	_ = 	snop;
	(pc) =	sbr.ind lr, $3  }
0x3a: {  	_ = 	snop  }
0x3b: {  	_ = 	snop  }
0x3c: {  	p2 =	seq.s32 s10, $0x1;
	s10 =	sld [smem:$0x3FB0]  }
0x3d: {  	_ =	shalt  }
0x3e: {  	_ =	shalt  }
0x3f: {  	_ =	shalt  }
0x40: {  	_ =	shalt  }
0x41: {  	_ =	shalt  }
0x42: {  	_ =	shalt  }
0x43: {  	_ =	shalt  }
0x44: {  	_ =	shalt  }
0x45: {  	_ =	shalt  }
0x46: {  	_ =	shalt  }
0x47: {  	_ =	shalt  }
0x48: {  	_ =	shalt  }
0x49: {  	_ =	shalt  }
0x4a: {  	_ =	shalt  }
0x4b: {  	_ =	shalt  }
0x4c: {  	_ =	shalt  }
0x4d: {  	_ =	shalt  }
0x4e: {  	_ =	shalt  }
0x4f: {  	_ =	shalt  }
0x50: {  	_ =	shalt  }
0x51: {  	_ =	shalt  }
0x52: {  	_ =	shalt  }
0x53: {  	_ =	shalt  }
0x54: {  	_ =	shalt  }
0x55: {  	_ =	shalt  }
0x56: {  	_ =	shalt  }
0x57: {  	_ =	shalt  }
0x58: {  	_ =	shalt  }
0x59: {  	_ =	shalt  }
0x5a: {  	_ =	shalt  }
0x5b: {  	_ =	shalt  }
0x5c: {  	_ =	shalt  }
0x5d: {  	_ =	shalt  }
0x5e: {  	_ =	shalt  }
0x5f: {  	_ =	shalt  }
0x60: {  	_ =	shalt  }
0x61: {  	_ =	shalt  }
0x62: {  	_ =	shalt  }
0x63: {  	_ =	shalt  }
0x64: {  	_ =	shalt  }
0x65: {  	_ =	shalt  }
0x66: {  	_ =	shalt  }
0x67: {  	_ =	shalt  }
0x68: {  	_ =	shalt  }
0x69: {  	_ =	shalt  }
0x6a: {  	_ =	shalt  }
0x6b: {  	_ =	shalt  }
0x6c: {  	_ =	shalt  }
0x6d: {  	_ =	shalt  }
0x6e: {  	_ =	shalt  }
0x6f: {  	_ =	shalt  }
0x70: {  	_ =	shalt  }
0x71: {  	_ =	shalt  }
0x72: {  	_ =	shalt  }
0x73: {  	_ =	shalt  }
0x74: {  	_ =	shalt  }
0x75: {  	_ =	shalt  }
0x76: {  	_ =	shalt  }
0x77: {  	_ =	shalt  }
0x78: {  	_ =	shalt  }
0x79: {  	_ =	shalt  }
0x7a: {  	_ =	shalt  }
0x7b: {  	_ =	shalt  }
0x7c: {  	_ =	shalt  }
0x7d: {  	_ =	shalt  }
0x7e: {  	_ =	shalt  }
0x7f: {  	_ =	shalt  }
0x80: {  	_ =	shalt  }
0x81: {  	_ =	shalt  }
0x82: {  	_ =	shalt  }
0x83: {  	_ =	shalt  }
0x84: {  	_ =	shalt  }
0x85: {  	_ =	shalt  }
0x86: {  	_ =	shalt  }
0x87: {  	_ =	shalt  }
.Lfunc_end0:
.L_simem_size_0:
called_computation_lowered:
.L_overlay_start_0:
0x88: {  	s2 =	sld [smem:$0x3FD9]  }
0x89: {  	s3 =	sld [smem:$0x3FFE];
	_ =	sdelay $0x1  }
0x8a: {  	s1 =	srdreg.scid  }
0x8b: {  	s0 =	sand.u32 $0x1, s1  }
0x8c: {  	s17 =	sshll.u32 s0, $0xA;
	s2 =	sadd.s32 s3, s2  }
0x8d: {  	s2 =	sadd.s32 s2, s17  }
0x8e: {  	[smem:$0x3FBC] =	sst s2  }
0x8f: {  	_ = 	snop  }
0x90: {  	s2 =	sld [smem:$0x3FC8]  }
0x91: {  	s18 =	sld [smem:$0x3FC7]  }
0x92: {  	s4 =	sld [smem:$0x3FD0];
	(tm) =	ssettm $0x1  }
0x93: {  	s5 =	sld [smem:$0x3FFB];
	_ =	sdelay $0x3  }
0x94: {  	_ =	strace s5  }
0x95: {  	s5 =	sld [smem:$0x3FFC];
	_ =	sdelay $0x3  }
0x96: {  	_ =	strace s5  }
0x97: {  	s5 =	sld [smem:$0x3FFD];
	_ =	sdelay $0x3  }
0x98: {  	_ =	strace s5  }
0x99: {  	_ =	strace $0x8FFFFFFF  }
0x9a: {  	s19 =	sld [smem:$0x3FDB];
	_ =	sdelay $0x1  }
0x9b: {  	s6 =	simm.s32 $_scs_section_size  }
0x9c: {  	s7 =	simm.s32 $_size__tile_overlayer_lowered;
	s8 =	simm.s32 $_tile_overlayer_lowered  }
0x9d: {  	s22 =	simm.s32 $0x1BFF;
	s21 =	sshll.u32 s8, $0x1;
	s5 =	sadd.s32 s6, s19  }
0x9e: {  	s9 =	simm.s32 $0x0;
	s20 =	sshll.u32 s7, $0x1;
	s7 =	sadd.s32 s21, s5  }
0x9f: {  	[timem:s9], [sflag:s22] =	dma.local [hbm:s7], s20  }
0xa0: {  	_ =	swait.ge [sflag:s22], s20  }
0xa1: {  	s6 =	ssub.s32 $0x0, s20;
	[sflag:s22] =	ssyncset.done $0x0  }
0xa2: {  	[sflag:s22] =	ssyncadd.s32 s6;
	_ =	sdelay $0x1  }
0xa3: {  	s23 =	simm.s32 $0x1B8B  }
0xa4: {  	_ =	swait.ge [sflag:s23], $0x1  }
0xa5: {  	[sflag:s23] =	ssyncset.done $0x0  }
0xa6: {  	s25 =	simm.s32 $0x1B8E;
	s24 =	sld [smem:$0x3FFE];
	[sflag:s23] =	ssyncadd.s32 $0xFFFFFFFF  }
0xa7: {  	s26 =	simm.s32 $execute0_lowered;
	[smem:$0x3FD2] =	sst s25  }
0xa8: {  	s7 =	sshll.u32 s26, $0x1;
	_ =	strace $0x80000046;
	[dreg:$0x1] =	wrdreg $0xFFFFFFFF  }
0xa9: {  	s28 =	simm.s32 $_size_execute0_lowered;
	s5 =	sadd.s32 s5, s7;
	[dreg:$0x0] =	wrdreg $0x0  }
0xaa: {  	s7 =	sshll.u32 s28, $0x1;
	[dreg:$0x2] =	wrdreg s5  }
0xab: {  	[dreg:$0x3] =	wrdreg s7  }
0xac: {  	[dreg:$0x4] =	wrdreg $0xC0  }
0xad: {  	_ =	task [dreg:s9], $0x5FFFF  }
0xae: {  	[dreg:$0x1] =	wrdreg $0xFFFFFFFF  }
0xaf: {  	[dreg:$0x0] =	wrdreg $0x60  }
0xb0: {  	[dreg:$0x2] =	wrdreg s4  }
0xb1: {  	[dreg:$0x3] =	wrdreg s18  }
0xb2: {  	[dreg:$0x4] =	wrdreg s2  }
0xb3: {  	[dreg:$0x5] =	wrdreg s24  }
0xb4: {  	[dreg:$0x6] =	wrdreg $0x112600  }
0xb5: {  	[dreg:$0x7] =	wrdreg $0x1B0600  }
0xb6: {  	[dreg:$0x8] =	wrdreg $0x9  }
0xb7: {  	_ =	task.clear_ibuf [dreg:s9], $0x9FFFF;
	_ =	strace $0x90000046  }
0xb8: {  	s29 =	simm.s32 $0x9;
	_ =	strace $0x80000048  }
0xb9: {  	_ =	swait.ge [sflag:s29], $0x1  }
0xba: {  	[sflag:s29] =	ssyncadd.s32 $0xFFFFFFFF  }
0xbb: {  	_ =	strace $0x90000048  }
0xbc: {  	_ =	sfence  }
0xbd: {  	s30 =	sld [smem:$0x0];
	_ =	sdelay $0x2  }
0xbe: {  	s31 =	sshll.u32 s1, $0xD;
	s1 =	sshrl.u32 s1, $0x2  }
0xbf: {  	s3 =	sand.u32 $0x4000, s31;
	s1 =	sadd.s32 s1, s30  }
0xc0: {  	s0 =	sor.u32 s3, s0;
	s1 =	sshll.u32 s1, $0x11  }
0xc1: {  	s0 =	sor.u32 s1, s0  }
0xc2: {  	s0 =	sadd.s32 $0x8F2B, s0  }
0xc3: {  	[sflag:s0] =	ssyncadd.remote.s32 $0x1  }
0xc4: {  	_ =	sfence.sel $0xFFFF  }
0xc5: {  	[dreg:$0x0] =	wrdreg $0xFFFFFFFF;
	(pc) =	sbr.abs _section_cstart, $3  }
0xc6: {  	[dreg:$0x1] =	wrdreg $0xFFFFFFFF  }
0xc7: {  	_ =	task.clear_ibuf [dreg:s9], $0x2FFFF;
	_ =	strace $0x9FFFFFFF  }
0xc8: {  	(tm) =	ssettm $0x7FFFFFFF  }
0xc9: {  	_ =	shalt  }
tec
execute0_lowered:
.L_overlay_start_1:
0x0: {  	(tag) =	ssettag $0x1  }
0x1: {  	s1 =	rddreg [dreg:$0x0]  }
0x2: {  	s0 =	rddreg [dreg:$0x1]  }
0x3: {  	s2 =	rddreg [dreg:$0x2]  }
0x4: {  	s5 =	rddreg [dreg:$0x3]  }
0x5: {  	s3 =	rddreg [dreg:$0x4]  }
0x6: {  	s8 =	rddreg [dreg:$0x5];
	s18 =	stileid.u32  }
0x7: {  	s4 =	simm.s32 $0x0;
	s6 =	srdreg.scid;
	s19 =	simm.s32 $0x1  }
0x8: {  	s21 =	simm.s32 $0x3;
	s23 =	simm.s32 $0x2;
	s7 =	smul.u32 $0x9E00, s18  }
0x9: {  	s24 =	simm.s32 $0x9C90;
	s25 =	simm.s32 $0x4;
	s9 =	smul.u32 $0x2780, s18  }
0xa: {  	s28 =	simm.s32 $0xEA10;
	s10 =	sand.u32 $0x1, s6;
	s16 =	smul.u32 $0x9C4, s18  }
0xb: {  	s29 =	simm.s32 $0x0;
	[smem:$0x7FF] =	sst s4;
	s6 =	smul.u32 $0x9E000, s10  }
0xc: {  	s31 =	sshll.u32 s18, $0x6;
	s18 =	simm.s32 $0xFE60;
	s13 =	smul.u32 $0x27800, s10  }
0xd: {  	_ =	strace $0x80000047;
	s14 =	ssub.s32 $0x2, s10;
	s26 =	smul.u32 $0x2710, s10  }
0xe: {  	s11 =	sshrl.u32 s7, $0x3;
	s12 =	sshrl.u32 s9, $0x3;
	s15 =	sshrl.u32 s14, $0x1  }
0xf: {  	s30 =	sadd.s32 s7, s3;
	s8 =	sadd.s32 s9, s8;
	s11 =	sadd.s32 s11, s5  }
0x10: {  	s12 =	sadd.s32 s12, s5;
	s6 =	sadd.s32 s7, s6;
	s13 =	sadd.s32 s9, s13  }
0x11: {  	s14 =	ssub.s32 s14, s15;
	s15 =	sshrl.u32 s30, $0x3;
	v0 =	vmov s26;
	s26 =	simm.s32 $0x4DD0  }
0x12: {  	s6 =	sshrl.u32 s6, $0x3;
	s13 =	sshrl.u32 s13, $0x3;
	s7 =	sadd.s32 $0x7600, s11  }
0x13: {  	s9 =	sadd.s32 $0x2600, s12;
	s12 =	smax.u32 s14, $0x1;
	s14 =	sor.u32 $0x1C05, s31  }
0x14: {  	s17 =	sadd.s32 s6, s5;
	s13 =	sadd.s32 s13, s5;
	s5 =	sadd.s32 s0, s16  }
0x15: {  	s6 =	sadd.s32 s2, s16;
	s16 =	simm.s32 $0x50;
	s10 =	sadd.s32 $0x1B200, s17  }
0x16: {  	s11 =	sadd.s32 $0x42A00, s13;
	s13 =	simm.s32 $0x5;
	s17 =	simm.s32 $0xEA60  }
.LBB2_1:
0x17: {  	[tilespmem:s4], [sflag:$0x5] =	stream.linear.gather [hbm4b:s5+s4], $0x4E20, $0x38;
	[tilespmem:$0x1D7E0] =	vst v63  }
0x18: {  	_ =	swait.ge [sflag:s13], $0x4E20  }
0x19: {  	[sflag:s13] =	ssyncset.done $0x0  }
0x1a: {  	s30 =	simm.s32 $0x4E20;
	[sflag:s13] =	ssyncadd.s32 $0xFFFFB1E0  }
0x1b: {  	[tilespmem:s30], [sflag:$0x5] =	stream.linear.gather [hbm4b:s6+s4], $0x4E20, $0x38;
	[tilespmem:$0x1D7E0] =	vst v63  }
0x1c: {  	_ =	swait.ge [sflag:s13], $0x4E20  }
0x1d: {  	[sflag:s13] =	ssyncset.done $0x0  }
0x1e: {  	[sflag:s13] =	ssyncadd.s32 $0xFFFFB1E0  }
0x1f: {  	v1 =	vld [tilespmem:s4+$0x0];
	_ =	sdelay $0x2  }
0x20: {  	s0 =	smul.u32 $0xCCCD, s4;
	_ =	sdelay $0x1  }
0x21: {  	s0 =	sshrl.u32 s0, $0x12;
	v1 =	vadd.s32 v0, v1  }
0x22: {  	s2 =	smul.u32 $0x5, s0;
	[tilespmem:s4+$0x0] =	vst v1  }
0x23: {  	v1 =	vld [tilespmem:s30+$0x0]  }
0x24: {  	s0 =	smul.u32 $0x140, s0;
	s2 =	ssub.s32 $0x0, s2  }
0x25: {  	s2 =	sand.u32 $0xFFFF, s2  }
0x26: {  	s0 =	sshrl.u32 s0, $0x2;
	s2 =	sshll.u32 s2, $0x4  }
0x27: {  	s0 =	sadd.s32 s2, s0  }
0x28: {  	[tilespmem:s0+$0x9C40] =	vst v1;
	s0 =	simm.s32 $0x10  }
0x29: {  	s31 =	simm.s32 $0x1;
	s2 =	simm.s32 $0x2;
	v1 =	vld [tilespmem:s0+$0x0]  }
.LBB2_2:
0x2a: {  	p0 =	sne.s32 s2, $0x4E1;
	_ =	sdelay $0x1  }
0x2b: {  	s20 =	smul.u32 $0xCCCD, s31;
	_ =	sdelay $0x1  }
0x2c: {  	s20 =	sshrl.u32 s20, $0x12;
	v1 =	vadd.s32 v0, v1  }
0x2d: {  	s30 =	sadd.s32 $0x10, s30;
	s22 =	smul.u32 $0x5, s20;
	[tilespmem:s0+$0x0] =	vst v1  }
0x2e: {  	v1 =	vld [tilespmem:s30+$0x0]  }
0x2f: {  	s20 =	smul.u32 $0x140, s20;
	s22 =	ssub.s32 s31, s22;
	s31 =	smov.u32 s2  }
.Ltmp0:
0x30: {  	s22 =	sand.u32 $0xFFFF, s22;
	(pc) =	sbr.rel @p0 .LBB2_2-.Ltmp0, $4  }
0x31: {  	s20 =	sshrl.u32 s20, $0x2;
	s22 =	sshll.u32 s22, $0x4  }
0x32: {  	s20 =	sadd.s32 s22, s20  }
0x33: {  	s0 =	sadd.s32 $0x10, s0;
	[tilespmem:s20+$0x9C40] =	vst v1  }
0x34: {  	s2 =	sadd.s32 $0x1, s2;
	v1 =	vld [tilespmem:s0+$0x0]  }
0x35: {  	_ =	sdelay $0x1  }
0x36: {  	s2 =	smul.u32 $0xCCCD, s31;
	_ =	sdelay $0x1  }
0x37: {  	s2 =	sshrl.u32 s2, $0x12;
	v1 =	vadd.s32 v0, v1  }
0x38: {  	s20 =	sadd.s32 $0x10, s30;
	s22 =	smul.u32 $0x5, s2;
	[tilespmem:s0+$0x0] =	vst v1  }
0x39: {  	v1 =	vld [tilespmem:s20+$0x0]  }
0x3a: {  	s2 =	smul.u32 $0x140, s2;
	s0 =	ssub.s32 s31, s22  }
0x3b: {  	s0 =	sand.u32 $0xFFFF, s0  }
0x3c: {  	s2 =	sshrl.u32 s2, $0x2;
	s0 =	sshll.u32 s0, $0x4  }
0x3d: {  	s0 =	sadd.s32 s0, s2  }
0x3e: {  	[tilespmem:s0+$0x9C40] =	vst v1  }
0x3f: {  	[spmem:s15], [sflag:s14] =	dma.local [hbm:s7], $0x13C0  }
0x40: {  	_ =	swait.ge [sflag:s13], $0x13C0  }
0x41: {  	[sflag:s13] =	ssyncset.done $0x0  }
0x42: {  	s30 =	sshrl.u32 s8, $0x3;
	[sflag:s13] =	ssyncadd.s32 $0xFFFFEC40  }
0x43: {  	[spmem:s30], [sflag:s14] =	dma.local [hbm:s9], $0x4F0  }
0x44: {  	_ =	swait.ge [sflag:s13], $0x4F0  }
0x45: {  	[sflag:s13] =	ssyncset.done $0x0  }
0x46: {  	[sflag:s13] =	ssyncadd.s32 $0xFFFFFB10  }
0x47: {  	[bflag:$0x0] =	sbarrier.arrive $0xFFFF  }
0x48: {  	[tilespmem:s17], [sflag:$0x1] =	stream.indirect.gather [hbm4b:s1+s16], $0x40, s4, s16, $0xb8;
	[tilespmem:$0x1D7E0] =	vst v63  }
0x49: {  	_ = 	snop  }
0x4a: {  	[tilespmem:s18], [sflag:$0x2] =	stream.indirect.gather [hbm4b:s1+s16], $0x40, s16, s16, $0xb8;
	[tilespmem:$0x1D7E0] =	vst v63  }
0x4b: {  	_ =	swait.ge [sflag:s19], $0x1400  }
0x4c: {  	[sflag:s19] =	ssyncset.done $0x0  }
0x4d: {  	s20 =	simm.s32 $0x9C40;
	[sflag:s19] =	ssyncadd.s32 $0xFFFFEC00  }
0x4e: {  	[spmem:s3] =	stream.indirect.scatter.add.f32 [tilespmem:s17], [sflag:$0x3], $0x40, s20, s16, $0xb8;
	[tilespmem:$0x1D7E0] =	vst v63  }
0x4f: {  	_ =	swait.ge [sflag:s21], $0x1400  }
0x50: {  	[sflag:s21] =	ssyncset.done $0x0  }
0x51: {  	s22 =	simm.s32 $0xA0;
	[sflag:s21] =	ssyncadd.s32 $0xFFFFEC00  }
0x52: {  	[tilespmem:s17], [sflag:$0x1] =	stream.indirect.gather [hbm4b:s1+s16], $0x40, s22, s16, $0xb8;
	[tilespmem:$0x1D7E0] =	vst v63  }
0x53: {  	_ =	swait.ge [sflag:s23], $0x1400  }
0x54: {  	[sflag:s23] =	ssyncset.done $0x0  }
0x55: {  	[sflag:s23] =	ssyncadd.s32 $0xFFFFEC00  }
0x56: {  	[spmem:s3] =	stream.indirect.scatter.add.f32 [tilespmem:s18], [sflag:$0x4], $0x40, s24, s16, $0xb8;
	[tilespmem:$0x1D7E0] =	vst v63  }
0x57: {  	_ =	swait.ge [sflag:s25], $0x1400  }
0x58: {  	[sflag:s25] =	ssyncset.done $0x0  }
0x59: {  	s2 =	simm.s32 $0xF0;
	[sflag:s25] =	ssyncadd.s32 $0xFFFFEC00  }
0x5a: {  	[tilespmem:s18], [sflag:$0x2] =	stream.indirect.gather [hbm4b:s1+s16], $0x40, s2, s16, $0xb8;
	[tilespmem:$0x1D7E0] =	vst v63  }
0x5b: {  	_ =	swait.ge [sflag:s19], $0x1400  }
0x5c: {  	[sflag:s19] =	ssyncset.done $0x0  }
0x5d: {  	s20 =	simm.s32 $0x9CE0;
	[sflag:s19] =	ssyncadd.s32 $0xFFFFEC00  }
0x5e: {  	[spmem:s3] =	stream.indirect.scatter.add.f32 [tilespmem:s17], [sflag:$0x3], $0x40, s20, s16, $0xb8;
	[tilespmem:$0x1D7E0] =	vst v63  }
0x5f: {  	_ =	swait.ge [sflag:s21], $0x1400  }
0x60: {  	[sflag:s21] =	ssyncset.done $0x0  }
0x61: {  	s22 =	simm.s32 $0x140;
	[sflag:s21] =	ssyncadd.s32 $0xFFFFEC00  }
0x62: {  	[tilespmem:s17], [sflag:$0x1] =	stream.indirect.gather [hbm4b:s1+s16], $0x40, s22, s16, $0xb8;
	[tilespmem:$0x1D7E0] =	vst v63  }
0x63: {  	_ =	swait.ge [sflag:s23], $0x1400  }
0x64: {  	[sflag:s23] =	ssyncset.done $0x0  }
0x65: {  	s31 =	simm.s32 $0xFFFECF00;
	s0 =	simm.s32 $0x9D30;
	[sflag:s23] =	ssyncadd.s32 $0xFFFFEC00  }
.LBB2_4:
0x66: {  	[spmem:s3] =	stream.indirect.scatter.add.f32 [tilespmem:s18], [sflag:$0x4], $0x40, s0, s16, $0xb8;
	[tilespmem:$0x1D7E0] =	vst v63  }
0x67: {  	s0 =	smov.u32 s31;
	s31 =	sadd.s32 $0x280, s31;
	_ =	swait.ge [sflag:s25], $0x1400  }
0x68: {  	s0 =	sshra.s32 s0, $0x2;
	p0 =	sne.s32 s31, $0x0;
	[sflag:s25] =	ssyncset.done $0x0  }
0x69: {  	s2 =	sadd.s32 $0x4DD0, s0;
	[sflag:s25] =	ssyncadd.s32 $0xFFFFEC00  }
0x6a: {  	[tilespmem:s18], [sflag:$0x2] =	stream.indirect.gather [hbm4b:s1+s16], $0x40, s2, s16, $0xb8;
	[tilespmem:$0x1D7E0] =	vst v63  }
0x6b: {  	_ =	swait.ge [sflag:s19], $0x1400  }
0x6c: {  	[sflag:s19] =	ssyncset.done $0x0  }
0x6d: {  	s2 =	sadd.s32 $0xE9C0, s0;
	[sflag:s19] =	ssyncadd.s32 $0xFFFFEC00  }
0x6e: {  	[spmem:s3] =	stream.indirect.scatter.add.f32 [tilespmem:s17], [sflag:$0x3], $0x40, s2, s16, $0xb8;
	[tilespmem:$0x1D7E0] =	vst v63  }
0x6f: {  	_ =	swait.ge [sflag:s21], $0x1400  }
0x70: {  	[sflag:s21] =	ssyncset.done $0x0  }
.Ltmp1:
0x71: {  	s2 =	sadd.s32 $0x4E20, s0;
	[sflag:s21] =	ssyncadd.s32 $0xFFFFEC00;
	(pc) =	sbr.rel @p0 .LBB2_4-.Ltmp1, $4  }
0x72: {  	[tilespmem:s17], [sflag:$0x1] =	stream.indirect.gather [hbm4b:s1+s16], $0x40, s2, s16, $0xb8;
	[tilespmem:$0x1D7E0] =	vst v63  }
0x73: {  	_ =	swait.ge [sflag:s23], $0x1400  }
0x74: {  	[sflag:s23] =	ssyncset.done $0x0  }
0x75: {  	s0 =	sadd.s32 $0xEA10, s0;
	[sflag:s23] =	ssyncadd.s32 $0xFFFFEC00  }
0x76: {  	[spmem:s3] =	stream.indirect.scatter.add.f32 [tilespmem:s18], [sflag:$0x4], $0x40, s0, s16, $0xb8;
	[tilespmem:$0x1D7E0] =	vst v63  }
0x77: {  	_ =	swait.ge [sflag:s25], $0x1400  }
0x78: {  	[sflag:s25] =	ssyncset.done $0x0  }
0x79: {  	[sflag:s25] =	ssyncadd.s32 $0xFFFFEC00  }
0x7a: {  	[tilespmem:s18], [sflag:$0x2] =	stream.indirect.gather [hbm4b:s1+s16], $0x40, s26, s16, $0xb8;
	[tilespmem:$0x1D7E0] =	vst v63  }
0x7b: {  	_ =	swait.ge [sflag:s19], $0x1400  }
0x7c: {  	s31 =	sshra.s32 s31, $0x2;
	[sflag:s19] =	ssyncset.done $0x0  }
0x7d: {  	s0 =	sadd.s32 $0xE9C0, s31;
	[sflag:s19] =	ssyncadd.s32 $0xFFFFEC00  }
0x7e: {  	[spmem:s3] =	stream.indirect.scatter.add.f32 [tilespmem:s17], [sflag:$0x3], $0x40, s0, s16, $0xb8;
	[tilespmem:$0x1D7E0] =	vst v63  }
0x7f: {  	_ =	swait.ge [sflag:s21], $0x1400  }
0x80: {  	[sflag:s21] =	ssyncset.done $0x0  }
0x81: {  	[sflag:s21] =	ssyncadd.s32 $0xFFFFEC00  }
0x82: {  	_ =	swait.ge [sflag:s23], $0x1400  }
0x83: {  	[sflag:s23] =	ssyncset.done $0x0  }
0x84: {  	[sflag:s23] =	ssyncadd.s32 $0xFFFFEC00  }
0x85: {  	[spmem:s3] =	stream.indirect.scatter.add.f32 [tilespmem:s18], [sflag:$0x4], $0x40, s28, s16, $0xb8;
	[tilespmem:$0x1D7E0] =	vst v63  }
0x86: {  	_ =	swait.ge [sflag:s25], $0x1400  }
0x87: {  	[sflag:s25] =	ssyncset.done $0x0  }
0x88: {  	[sflag:s25] =	ssyncadd.s32 $0xFFFFEC00  }
0x89: {  	[bflag:$0x0] =	sbarrier.arrive $0xFFFF  }
0x8a: {  	[hbm:s10], [sflag:s14] =	dma.local [spmem:s15], $0x13C0  }
0x8b: {  	s29 =	sadd.s32 $0x1, s29;
	_ =	swait.ge [sflag:s13], $0x13C0  }
0x8c: {  	p0 =	sne.s32 s29, s12;
	[sflag:s13] =	ssyncset.done $0x0  }
.Ltmp2:
0x8d: {  	[sflag:s13] =	ssyncadd.s32 $0xFFFFEC40;
	(pc) =	sbr.rel @p0 .LBB2_1-.Ltmp2, $4  }
0x8e: {  	[hbm:s11], [sflag:s14] =	dma.local [spmem:s30], $0x4F0  }
0x8f: {  	_ =	swait.ge [sflag:s13], $0x4F0  }
0x90: {  	[sflag:s13] =	ssyncset.done $0x0  }
0x91: {  	[sflag:s13] =	ssyncadd.s32 $0xFFFFFB10  }
0x92: {  	_ =	sfence.sel $0x180000  }
0x93: {  	[bflag:$0x0] =	sbarrier.arrive $0xFFFF  }
0x94: {  	_ =	strace $0x90000047  }
0x95: {  	s0 =	stileid.u32;
	[bflag:$0x2] =	sbarrier.arrive $0xFFFF  }
0x96: {  	p0 =	sne.s32 s0, $0x0;
	s0 =	rddreg [dreg:$0x6]  }
0x97: {  	s0 =	sadd.s32 @!p0 $0x100000, s0  }
0x98: {  	[sflag:s0] =	ssyncadd.tile.s32 @!p0 $0x1;
	_ =	shalt  }
.Lfunc_end2:
_tile_overlayer_lowered:
.L_overlay_start_2:
0x99: {  	(tag) =	ssettag $0x2  }
0x9a: {  	s0 =	rddreg [dreg:$0x0];
	s2 =	stileid.u32  }
0x9b: {  	s1 =	rddreg [dreg:$0x1];
	p0 =	sne.s32 s2, $0x0  }
0x9c: {  	s3 =	rddreg [dreg:$0x2];
	[bflag:$0x3] =	sbarrier.arrive $0xFFFF;
	s2 =	simm.s32 @!p0 $0x1C05  }
0x9d: {  	[timem:s3], [sflag:s2] =	dma.local @!p0 [hbm:s0], s1  }
0x9e: {  	s0 =	simm.s32 @!p0 $0x5  }
0x9f: {  	_ =	swait.ge @!p0 [sflag:s0], s1  }
0xa0: {  	s1 =	ssub.s32 @!p0 $0x0, s1;
	[sflag:s0] =	ssyncset.done @!p0 $0x0  }
0xa1: {  	[sflag:s0] =	ssyncadd.s32 @!p0 s1  }
0xa2: {  	[bflag:$0x3] =	sbarrier.arrive $0xFFFF  }
0xa3: {  	_ =	shalt  }

</sc_bundles>
